<compile_context>
chip_gen: v7x
topology: tpu7x:2x2x1
jax: 0.10.2.dev20260603
libtpu: 0.0.44.dev20260713+nightly
codegen_flags: <defaults>
</compile_context>

<pallas_src>
import functools

import jax
import jax.numpy as jnp
from jax import lax
from jax.experimental import pallas as pl
from jax.experimental.pallas import tpu as pltpu
from jax.experimental.pallas import tpu_sc as plsc

N = 10000
E = 320000
D = 128
NC = 2
NS = 16
NW = NC * NS
K = 80
NCHUNK = 126
EPW = NCHUNK * K
E_PAD = EPW * NW
NPAIR = NCHUNK // 2
NROWS = 624

_MESH = plsc.VectorSubcoreMesh(core_axis_name="c", subcore_axis_name="s",
                               num_cores=NC, num_subcores=NS)
_SC_PARAMS = pltpu.CompilerParams(needs_layout_passes=False)


_DEGW = 8


@functools.partial(
    pl.kernel,
    out_type=jax.ShapeDtypeStruct((NC, N), jnp.float32),
    mesh=_MESH,
    scratch_types=[
        pltpu.VMEM((NCHUNK, K), jnp.int32),
        pltpu.VMEM((NCHUNK, K), jnp.float32),
        pltpu.VMEM_SHARED((N,), jnp.float32),
        pltpu.SemaphoreType.DMA,
    ],
    compiler_params=_SC_PARAMS,
)
def _deg_kernel(col_hbm, ew_hbm, zn_hbm, degp_hbm, col_v, ew_v, deg_sh, sem):
    c = lax.axis_index("c")
    s = lax.axis_index("s")
    wid = s * NC + c

    @pl.when(s == 0)
    def _():
        pltpu.sync_copy(zn_hbm, deg_sh)

    pltpu.sync_copy(col_hbm.at[wid], col_v)
    pltpu.sync_copy(ew_hbm.at[wid], ew_v)
    plsc.subcore_barrier()

    def drain_one():
        pltpu.make_async_copy(ew_v.at[0], deg_sh.at[col_v.at[0]], sem).wait()

    def fire(ch, carry):
        pltpu.async_copy(ew_v.at[ch], deg_sh.at[col_v.at[ch]], sem, add=True)

        @pl.when(ch >= _DEGW)
        def _():
            drain_one()

        return carry

    lax.fori_loop(0, NCHUNK, fire, 0)

    def drain(ch, carry):
        drain_one()
        return carry

    lax.fori_loop(0, _DEGW, drain, 0)
    plsc.subcore_barrier()

    @pl.when(s == 0)
    def _():
        pltpu.sync_copy(deg_sh, degp_hbm.at[c])


_MB = 1000


def _mid_body(x_ref, w_ref, degp_ref, hp_ref, dinv_ref):
    deg = jnp.sum(degp_ref[...], axis=1) + 1.0
    dinv = lax.rsqrt(deg)
    h = jnp.dot(x_ref[...], w_ref[...], preferred_element_type=jnp.float32)
    hp_ref[...] = h * dinv[:, None]
    dinv_ref[...] = dinv[:, None]


def _mid_call(x, w1, degp_t):
    return pl.pallas_call(
        _mid_body,
        grid=(N // _MB,),
        in_specs=[
            pl.BlockSpec((_MB, D), lambda i: (i, 0)),
            pl.BlockSpec((D, D), lambda i: (0, 0)),
            pl.BlockSpec((_MB, NC), lambda i: (i, 0)),
        ],
        out_specs=[
            pl.BlockSpec((_MB, D), lambda i: (i, 0)),
            pl.BlockSpec((_MB, 1), lambda i: (i, 0)),
        ],
        out_shape=[
            jax.ShapeDtypeStruct((N, D), jnp.float32),
            jax.ShapeDtypeStruct((N, 1), jnp.float32),
        ],
    )(x, w1, degp_t)


@functools.partial(
    pl.kernel,
    out_type=jax.ShapeDtypeStruct((NC, N, D), jnp.float32),
    mesh=_MESH,
    scratch_types=[
        pltpu.VMEM((18, K), jnp.int32),
        pltpu.VMEM((K, D), jnp.float32),
        pltpu.VMEM((K, D), jnp.float32),
        pltpu.VMEM((K, D), jnp.float32),
        pltpu.VMEM((K, D), jnp.float32),
        pltpu.VMEM_SHARED((N, D), jnp.float32),
        pltpu.SemaphoreType.DMA,
        pltpu.SemaphoreType.DMA,
        pltpu.SemaphoreType.DMA,
        pltpu.SemaphoreType.DMA,
        pltpu.SemaphoreType.DMA,
        pltpu.SemaphoreType.DMA,
    ],
    compiler_params=_SC_PARAMS,
)
def _scatter_kernel(idx_hbm, hp_hbm, znd_hbm, accp_hbm,
                    idxb, ga, gb, sa, sb, acc_sh,
                    semga, semgb, semsa, semsb, semia, semib):
    c = lax.axis_index("c")
    s = lax.axis_index("s")
    wid = s * NC + c

    pltpu.sync_copy(idx_hbm.at[wid, 0], idxb.at[pl.ds(0, 3)])
    pltpu.sync_copy(idx_hbm.at[wid, 1], idxb.at[pl.ds(3, 3)])
    pltpu.sync_copy(idx_hbm.at[wid, 2], idxb.at[pl.ds(6, 3)])

    @pl.when(s < NS - 1)
    def _():
        pltpu.sync_copy(znd_hbm.at[pl.ds(s * NROWS, NROWS)],
                        acc_sh.at[pl.ds(s * NROWS, NROWS)])

    @pl.when(s == NS - 1)
    def _():
        pltpu.sync_copy(znd_hbm.at[pl.ds((NS - 1) * NROWS, N - (NS - 1) * NROWS)],
                        acc_sh.at[pl.ds((NS - 1) * NROWS, N - (NS - 1) * NROWS)])

    plsc.subcore_barrier()

    def scale(gbuf, sbuf, ewrow):
        @plsc.parallel_loop(0, K, unroll=4)
        def _(e):
            bits = plsc.load_gather(
                idxb,
                [jnp.full((16,), ewrow, jnp.int32),
                 jnp.full((16,), e, jnp.int32)],
            )
            ewb = plsc.bitcast(bits, jnp.float32)
            for f in range(D // 16):
                sl = pl.ds(f * 16, 16)
                sbuf[e, sl] = gbuf[e, sl] * ewb

    def gwait(gbuf, sem, ridx):
        pltpu.make_async_copy(hp_hbm.at[ridx], gbuf, sem).wait()

    def swait(sbuf, sem, cidx):
        pltpu.make_async_copy(sbuf, acc_sh.at[cidx], sem).wait()

    def idx_wait(sem):
        pltpu.make_async_copy(idx_hbm.at[wid, 0], idxb.at[pl.ds(0, 3)],
                              sem).wait()

    pltpu.async_copy(hp_hbm.at[idxb.at[0]], ga, semga)

    def pair(cp, carry):
        cha = 2 * cp
        chb = 2 * cp + 1
        slota = lax.rem(cha, 6)
        slotb = slota + 1
        slota2 = lax.rem(cha + 2, 6)
        spreva = lax.rem(cha + 4, 6)
        sprevb = spreva + 1

        @pl.when(cp > 0)
        def _():
            idx_wait(semib)

        pltpu.async_copy(hp_hbm.at[idxb.at[3 * slotb]], gb, semgb)
        gwait(ga, semga, idxb.at[3 * slota])

        @pl.when(cp > 0)
        def _():
            swait(sa, semsa, idxb.at[3 * spreva + 1])

        scale(ga, sa, 3 * slota + 2)
        pltpu.async_copy(sa, acc_sh.at[idxb.at[3 * slota + 1]], semsa,
                         add=True)

        @pl.when(jnp.logical_and(cp > 0, cp < NPAIR - 1))
        def _():
            idx_wait(semia)

        @pl.when(cp < NPAIR - 1)
        def _():
            pltpu.async_copy(hp_hbm.at[idxb.at[3 * slota2]], ga, semga)

        @pl.when(cp < NPAIR - 2)
        def _():
            pltpu.async_copy(idx_hbm.at[wid, cha + 4],
                             idxb.at[pl.ds(3 * spreva, 3)], semia)

        gwait(gb, semgb, idxb.at[3 * slotb])

        @pl.when(cp > 0)
        def _():
            swait(sb, semsb, idxb.at[3 * sprevb + 1])

        scale(gb, sb, 3 * slotb + 2)
        pltpu.async_copy(sb, acc_sh.at[idxb.at[3 * slotb + 1]], semsb,
                         add=True)

        @pl.when(cp < NPAIR - 1)
        def _():
            pltpu.async_copy(idx_hbm.at[wid, chb + 2],
                             idxb.at[pl.ds(3 * (slota2 + 1), 3)], semib)

        return carry

    lax.fori_loop(0, NPAIR, pair, 0)
    swait(sa, semsa, idxb.at[3 * ((NCHUNK - 2) % 6) + 1])
    swait(sb, semsb, idxb.at[3 * ((NCHUNK - 1) % 6) + 1])
    plsc.subcore_barrier()

    @pl.when(s < NS - 1)
    def _():
        pltpu.sync_copy(acc_sh.at[pl.ds(s * NROWS, NROWS)],
                        accp_hbm.at[c, pl.ds(s * NROWS, NROWS)])

    @pl.when(s == NS - 1)
    def _():
        pltpu.sync_copy(acc_sh.at[pl.ds((NS - 1) * NROWS, N - (NS - 1) * NROWS)],
                        accp_hbm.at[c, pl.ds((NS - 1) * NROWS, N - (NS - 1) * NROWS)])


def _final_body(accp_ref, hp_ref, dinv_ref, b_ref, out_ref):
    sacc = accp_ref[0] + accp_ref[1] + hp_ref[...]
    y = dinv_ref[...] * sacc + b_ref[...][None, :]
    out_ref[...] = jnp.where(y > 0, y, jnp.exp(y) - 1.0)


def _final_call(accp, hp, dinv, b1):
    return pl.pallas_call(
        _final_body,
        grid=(N // _MB,),
        in_specs=[
            pl.BlockSpec((NC, _MB, D), lambda i: (0, i, 0)),
            pl.BlockSpec((_MB, D), lambda i: (i, 0)),
            pl.BlockSpec((_MB, 1), lambda i: (i, 0)),
            pl.BlockSpec((D,), lambda i: (0,)),
        ],
        out_specs=pl.BlockSpec((_MB, D), lambda i: (i, 0)),
        out_shape=jax.ShapeDtypeStruct((N, D), jnp.float32),
    )(accp, hp, dinv, b1)


def kernel(x, edge_index, edge_weight, W0, b0, W1, b1):
    row = edge_index[0]
    col = edge_index[1]
    pad = E_PAD - E
    zi = jnp.zeros((pad,), jnp.int32)
    rowp = jnp.concatenate([row, zi])
    colp = jnp.concatenate([col, zi])
    ewp = jnp.concatenate([edge_weight, jnp.zeros((pad,), jnp.float32)])
    idx3 = jnp.stack(
        [rowp.reshape(NW, NCHUNK, K),
         colp.reshape(NW, NCHUNK, K),
         lax.bitcast_convert_type(ewp, jnp.int32).reshape(NW, NCHUNK, K)],
        axis=2)
    col3 = colp.reshape(NW, NCHUNK, K)
    ew3 = ewp.reshape(NW, NCHUNK, K)
    zn = jnp.zeros((N,), jnp.float32)
    znd = jnp.zeros((N, D), jnp.float32)

    degp = _deg_kernel(col3, ew3, zn)
    hp, dinv = _mid_call(x, W1, degp.T)
    accp = _scatter_kernel(idx3, hp, znd)
    return _final_call(accp, hp, dinv, b1)

# --- scband reference (transcript-rebuilt; emitter-appended) ---
"""Pipeline reference for scband-gcn-graph-24816321036835 (READ-ONLY COPY).

The authoritative reference and input builder live on the scoring server;
editing this copy changes nothing except your own understanding.
"""

import jax, jax.numpy as jnp
import numpy as np

N = 10000
E = 320000
D = 128
NUM_LAYERS = 2


def setup_inputs(seed: int = 0) -> dict:
    key = jax.random.key(seed)
    ks = jax.random.split(key, 8)
    x = jax.random.normal(ks[0], (N, D), dtype=jnp.float32)
    edge_index = jax.random.randint(ks[1], (2, E), 0, N, dtype=jnp.int32)
    edge_weight = jax.random.uniform(ks[2], (E,), dtype=jnp.float32)
    scale = 1.0 / np.sqrt(D)
    W0 = jax.random.normal(ks[3], (D, D), dtype=jnp.float32) * scale
    b0 = jnp.zeros((D,), dtype=jnp.float32)
    W1 = jax.random.normal(ks[4], (D, D), dtype=jnp.float32) * scale
    b1 = jnp.zeros((D,), dtype=jnp.float32)
    return {"x": x, "edge_index": edge_index, "edge_weight": edge_weight,
            "W0": W0, "b0": b0, "W1": W1, "b1": b1}


def gcn_conv(x, edge_index, edge_weight, W, b):
    # Faithful PyG GCNConv: linear transform, gcn_norm with self-loops, scatter-add aggregate, bias.
    n = x.shape[0]
    row = edge_index[0]
    col = edge_index[1]
    loop = jnp.arange(n, dtype=row.dtype)
    row = jnp.concatenate([row, loop])
    col = jnp.concatenate([col, loop])
    ew = jnp.concatenate([edge_weight, jnp.ones((n,), dtype=edge_weight.dtype)])
    deg = jnp.zeros((n,), dtype=ew.dtype).at[col].add(ew)
    deg_safe = jnp.where(deg > 0, deg, 1.0)
    dinv = jnp.where(deg > 0, jax.lax.rsqrt(deg_safe), 0.0)
    norm = dinv[row] * ew * dinv[col]
    h = x @ W  # gather source node features below
    msg = norm[:, None] * h[row]
    out = jnp.zeros((n, W.shape[1]), dtype=h.dtype).at[col].add(msg)
    return out + b


def reference(x, edge_index, edge_weight, W0, b0, W1, b1):
    # Faithful to the original forward: note x is NEVER updated inside the loop
    # (each layer reads the original x); dropout is identity at inference.
    params = [(W0, b0), (W1, b1)]
    gcn_out = x
    for k in range(NUM_LAYERS):
        W, b = params[k]
        gcn_out = jax.nn.elu(gcn_conv(x, edge_index, edge_weight, W, b))
        if k < NUM_LAYERS - 1:
            gcn_out = gcn_out  # dropout: identity in eval mode
    return gcn_out

if __name__ == "__main__":
    import jax
    _d = setup_inputs()
    print(jax.jit(kernel)(*tuple(_d.values())))

</pallas_src>

<mosaic_0001>
#map = affine_map<(d0, d1) -> (0, 0, 0, 0)>
#map1 = affine_map<(d0, d1) -> (0, 0)>
#map2 = affine_map<(d0, d1) -> (0, 0, 0)>
module attributes {stable_mosaic.version = 14 : i64} {
  func.func @_scatter_kernel(%arg0: i32, %arg1: i32, %arg2: memref<32x126x3x80xi32, #tpu.memory_space<hbm>>, %arg3: memref<10000x128xf32, #tpu.memory_space<hbm>>, %arg4: memref<10000x128xf32, #tpu.memory_space<hbm>>, %arg5: memref<2x10000x128xf32, #tpu.memory_space<hbm>>, %arg6: memref<18x80xi32, #tpu.memory_space<vmem>>, %arg7: memref<80x128xf32, #tpu.memory_space<vmem>>, %arg8: memref<80x128xf32, #tpu.memory_space<vmem>>, %arg9: memref<80x128xf32, #tpu.memory_space<vmem>>, %arg10: memref<80x128xf32, #tpu.memory_space<vmem>>, %arg11: memref<10000x128xf32, #tpu.memory_space<vmem_shared>>, %arg12: memref<!tpu.dma_semaphore, #tpu.memory_space<semaphore_mem>>, %arg13: memref<!tpu.dma_semaphore, #tpu.memory_space<semaphore_mem>>, %arg14: memref<!tpu.dma_semaphore, #tpu.memory_space<semaphore_mem>>, %arg15: memref<!tpu.dma_semaphore, #tpu.memory_space<semaphore_mem>>, %arg16: memref<!tpu.dma_semaphore, #tpu.memory_space<semaphore_mem>>, %arg17: memref<!tpu.dma_semaphore, #tpu.memory_space<semaphore_mem>>) attributes {dimension_semantics = [#tpu.dimension_semantics<core_parallel>, #tpu.dimension_semantics<subcore_parallel>], iteration_bounds = array<i64: 2, 16>, scalar_prefetch = 0 : i64, scratch_operands = 12 : i64, tpu.core_type = #tpu.core_type<sc_vector_subcore>, window_params = [{transform_indices = #map}, {transform_indices = #map1}, {transform_indices = #map1}, {transform_indices = #map2}]} {
    %mul3A = arith.constant 2 : i32
    %mul3A_0 = arith.muli %arg1, %mul3A : i32
    %add3A = arith.addi %mul3A_0, %arg0 : i32
    %run_scoped3A = arith.constant 0 : i32
    "tpu.region"() ({
      %run_scoped3A_44 = tpu.sem_alloc : memref<!tpu.dma_semaphore, #tpu.memory_space<semaphore_mem>>
      %dma_start3A_45 = arith.constant 0 : i32
      %dma_start3A_46 = arith.constant 0 : i32
      %dma_start3A_47 = tpu.memref_slice %arg6[%dma_start3A_45, %dma_start3A_46] : memref<18x80xi32, #tpu.memory_space<vmem>> -> memref<3x80xi32, #tpu.memory_space<vmem>>
      %dma_start3A_48 = arith.constant 0 : i32
      %dma_start3A_49 = arith.constant 0 : i32
      %dma_start3A_50 = tpu.memref_slice %arg2[%add3A, %run_scoped3A, %dma_start3A_48, %dma_start3A_49] : memref<32x126x3x80xi32, #tpu.memory_space<hbm>> -> memref<1x1x3x80xi32, #tpu.memory_space<hbm>>
      %dma_start3A_51 = tpu.memref_squeeze %dma_start3A_50 : memref<1x1x3x80xi32, #tpu.memory_space<hbm>> -> memref<3x80xi32, #tpu.memory_space<hbm>>
      %dma_start3A_52 = arith.constant 0 : i32
      %dma_start3A_53 = arith.constant 0 : i32
      %dma_start3A_54 = tpu.memref_slice %arg6[%dma_start3A_52, %dma_start3A_53] : memref<18x80xi32, #tpu.memory_space<vmem>> -> memref<3x80xi32, #tpu.memory_space<vmem>>
      %dma_start3A_55 = arith.constant 0 : i32
      %dma_start3A_56 = arith.constant 0 : i32
      %dma_start3A_57 = tpu.memref_slice %arg2[%add3A, %run_scoped3A, %dma_start3A_55, %dma_start3A_56] : memref<32x126x3x80xi32, #tpu.memory_space<hbm>> -> memref<1x1x3x80xi32, #tpu.memory_space<hbm>>
      %dma_start3A_58 = tpu.memref_squeeze %dma_start3A_57 : memref<1x1x3x80xi32, #tpu.memory_space<hbm>> -> memref<3x80xi32, #tpu.memory_space<hbm>>
      tpu.enqueue_dma source(%dma_start3A_58 : memref<3x80xi32, #tpu.memory_space<hbm>>) target(%dma_start3A_54 : memref<3x80xi32, #tpu.memory_space<vmem>>) target_semaphore(%run_scoped3A_44 : memref<!tpu.dma_semaphore, #tpu.memory_space<semaphore_mem>>)
      %dma_wait3A_59 = arith.constant 0 : i32
      %dma_wait3A_60 = arith.constant 0 : i32
      %dma_wait3A_61 = tpu.memref_slice %arg6[%dma_wait3A_59, %dma_wait3A_60] : memref<18x80xi32, #tpu.memory_space<vmem>> -> memref<3x80xi32, #tpu.memory_space<vmem>>
      %dma_wait3A_62 = arith.constant 0 : i32
      %dma_wait3A_63 = arith.constant 0 : i32
      %dma_wait3A_64 = tpu.memref_slice %arg2[%add3A, %run_scoped3A, %dma_wait3A_62, %dma_wait3A_63] : memref<32x126x3x80xi32, #tpu.memory_space<hbm>> -> memref<1x1x3x80xi32, #tpu.memory_space<hbm>>
      %dma_wait3A_65 = tpu.memref_squeeze %dma_wait3A_64 : memref<1x1x3x80xi32, #tpu.memory_space<hbm>> -> memref<3x80xi32, #tpu.memory_space<hbm>>
      %dma_wait3A_66 = arith.constant 0 : i32
      %dma_wait3A_67 = arith.constant 0 : i32
      %dma_wait3A_68 = tpu.memref_slice %arg6[%dma_wait3A_66, %dma_wait3A_67] : memref<18x80xi32, #tpu.memory_space<vmem>> -> memref<3x80xi32, #tpu.memory_space<vmem>>
      %dma_wait3A_69 = arith.constant 0 : i32
      %dma_wait3A_70 = arith.constant 0 : i32
      %dma_wait3A_71 = tpu.memref_slice %arg2[%add3A, %run_scoped3A, %dma_wait3A_69, %dma_wait3A_70] : memref<32x126x3x80xi32, #tpu.memory_space<hbm>> -> memref<1x1x3x80xi32, #tpu.memory_space<hbm>>
      %dma_wait3A_72 = tpu.memref_squeeze %dma_wait3A_71 : memref<1x1x3x80xi32, #tpu.memory_space<hbm>> -> memref<3x80xi32, #tpu.memory_space<hbm>>
      tpu.wait_dma2 semaphore(%run_scoped3A_44 : memref<!tpu.dma_semaphore, #tpu.memory_space<semaphore_mem>>) src(%dma_wait3A_72 : memref<3x80xi32, #tpu.memory_space<hbm>>) dst(%dma_wait3A_68 : memref<3x80xi32, #tpu.memory_space<vmem>>)
      tpu.yield
    }) : () -> ()
    %run_scoped3A_1 = arith.constant 1 : i32
    "tpu.region"() ({
      %run_scoped3A_44 = tpu.sem_alloc : memref<!tpu.dma_semaphore, #tpu.memory_space<semaphore_mem>>
      %dma_start3A_45 = arith.constant 3 : i32
      %dma_start3A_46 = arith.constant 0 : i32
      %dma_start3A_47 = tpu.memref_slice %arg6[%dma_start3A_45, %dma_start3A_46] : memref<18x80xi32, #tpu.memory_space<vmem>> -> memref<3x80xi32, #tpu.memory_space<vmem>>
      %dma_start3A_48 = arith.constant 0 : i32
      %dma_start3A_49 = arith.constant 0 : i32
      %dma_start3A_50 = tpu.memref_slice %arg2[%add3A, %run_scoped3A_1, %dma_start3A_48, %dma_start3A_49] : memref<32x126x3x80xi32, #tpu.memory_space<hbm>> -> memref<1x1x3x80xi32, #tpu.memory_space<hbm>>
      %dma_start3A_51 = tpu.memref_squeeze %dma_start3A_50 : memref<1x1x3x80xi32, #tpu.memory_space<hbm>> -> memref<3x80xi32, #tpu.memory_space<hbm>>
      %dma_start3A_52 = arith.constant 3 : i32
      %dma_start3A_53 = arith.constant 0 : i32
      %dma_start3A_54 = tpu.memref_slice %arg6[%dma_start3A_52, %dma_start3A_53] : memref<18x80xi32, #tpu.memory_space<vmem>> -> memref<3x80xi32, #tpu.memory_space<vmem>>
      %dma_start3A_55 = arith.constant 0 : i32
      %dma_start3A_56 = arith.constant 0 : i32
      %dma_start3A_57 = tpu.memref_slice %arg2[%add3A, %run_scoped3A_1, %dma_start3A_55, %dma_start3A_56] : memref<32x126x3x80xi32, #tpu.memory_space<hbm>> -> memref<1x1x3x80xi32, #tpu.memory_space<hbm>>
      %dma_start3A_58 = tpu.memref_squeeze %dma_start3A_57 : memref<1x1x3x80xi32, #tpu.memory_space<hbm>> -> memref<3x80xi32, #tpu.memory_space<hbm>>
      tpu.enqueue_dma source(%dma_start3A_58 : memref<3x80xi32, #tpu.memory_space<hbm>>) target(%dma_start3A_54 : memref<3x80xi32, #tpu.memory_space<vmem>>) target_semaphore(%run_scoped3A_44 : memref<!tpu.dma_semaphore, #tpu.memory_space<semaphore_mem>>)
      %dma_wait3A_59 = arith.constant 3 : i32
      %dma_wait3A_60 = arith.constant 0 : i32
      %dma_wait3A_61 = tpu.memref_slice %arg6[%dma_wait3A_59, %dma_wait3A_60] : memref<18x80xi32, #tpu.memory_space<vmem>> -> memref<3x80xi32, #tpu.memory_space<vmem>>
      %dma_wait3A_62 = arith.constant 0 : i32
      %dma_wait3A_63 = arith.constant 0 : i32
      %dma_wait3A_64 = tpu.memref_slice %arg2[%add3A, %run_scoped3A_1, %dma_wait3A_62, %dma_wait3A_63] : memref<32x126x3x80xi32, #tpu.memory_space<hbm>> -> memref<1x1x3x80xi32, #tpu.memory_space<hbm>>
      %dma_wait3A_65 = tpu.memref_squeeze %dma_wait3A_64 : memref<1x1x3x80xi32, #tpu.memory_space<hbm>> -> memref<3x80xi32, #tpu.memory_space<hbm>>
      %dma_wait3A_66 = arith.constant 3 : i32
      %dma_wait3A_67 = arith.constant 0 : i32
      %dma_wait3A_68 = tpu.memref_slice %arg6[%dma_wait3A_66, %dma_wait3A_67] : memref<18x80xi32, #tpu.memory_space<vmem>> -> memref<3x80xi32, #tpu.memory_space<vmem>>
      %dma_wait3A_69 = arith.constant 0 : i32
      %dma_wait3A_70 = arith.constant 0 : i32
      %dma_wait3A_71 = tpu.memref_slice %arg2[%add3A, %run_scoped3A_1, %dma_wait3A_69, %dma_wait3A_70] : memref<32x126x3x80xi32, #tpu.memory_space<hbm>> -> memref<1x1x3x80xi32, #tpu.memory_space<hbm>>
      %dma_wait3A_72 = tpu.memref_squeeze %dma_wait3A_71 : memref<1x1x3x80xi32, #tpu.memory_space<hbm>> -> memref<3x80xi32, #tpu.memory_space<hbm>>
      tpu.wait_dma2 semaphore(%run_scoped3A_44 : memref<!tpu.dma_semaphore, #tpu.memory_space<semaphore_mem>>) src(%dma_wait3A_72 : memref<3x80xi32, #tpu.memory_space<hbm>>) dst(%dma_wait3A_68 : memref<3x80xi32, #tpu.memory_space<vmem>>)
      tpu.yield
    }) : () -> ()
    %run_scoped3A_2 = arith.constant 2 : i32
    "tpu.region"() ({
      %run_scoped3A_44 = tpu.sem_alloc : memref<!tpu.dma_semaphore, #tpu.memory_space<semaphore_mem>>
      %dma_start3A_45 = arith.constant 6 : i32
      %dma_start3A_46 = arith.constant 0 : i32
      %dma_start3A_47 = tpu.memref_slice %arg6[%dma_start3A_45, %dma_start3A_46] : memref<18x80xi32, #tpu.memory_space<vmem>> -> memref<3x80xi32, #tpu.memory_space<vmem>>
      %dma_start3A_48 = arith.constant 0 : i32
      %dma_start3A_49 = arith.constant 0 : i32
      %dma_start3A_50 = tpu.memref_slice %arg2[%add3A, %run_scoped3A_2, %dma_start3A_48, %dma_start3A_49] : memref<32x126x3x80xi32, #tpu.memory_space<hbm>> -> memref<1x1x3x80xi32, #tpu.memory_space<hbm>>
      %dma_start3A_51 = tpu.memref_squeeze %dma_start3A_50 : memref<1x1x3x80xi32, #tpu.memory_space<hbm>> -> memref<3x80xi32, #tpu.memory_space<hbm>>
      %dma_start3A_52 = arith.constant 6 : i32
      %dma_start3A_53 = arith.constant 0 : i32
      %dma_start3A_54 = tpu.memref_slice %arg6[%dma_start3A_52, %dma_start3A_53] : memref<18x80xi32, #tpu.memory_space<vmem>> -> memref<3x80xi32, #tpu.memory_space<vmem>>
      %dma_start3A_55 = arith.constant 0 : i32
      %dma_start3A_56 = arith.constant 0 : i32
      %dma_start3A_57 = tpu.memref_slice %arg2[%add3A, %run_scoped3A_2, %dma_start3A_55, %dma_start3A_56] : memref<32x126x3x80xi32, #tpu.memory_space<hbm>> -> memref<1x1x3x80xi32, #tpu.memory_space<hbm>>
      %dma_start3A_58 = tpu.memref_squeeze %dma_start3A_57 : memref<1x1x3x80xi32, #tpu.memory_space<hbm>> -> memref<3x80xi32, #tpu.memory_space<hbm>>
      tpu.enqueue_dma source(%dma_start3A_58 : memref<3x80xi32, #tpu.memory_space<hbm>>) target(%dma_start3A_54 : memref<3x80xi32, #tpu.memory_space<vmem>>) target_semaphore(%run_scoped3A_44 : memref<!tpu.dma_semaphore, #tpu.memory_space<semaphore_mem>>)
      %dma_wait3A_59 = arith.constant 6 : i32
      %dma_wait3A_60 = arith.constant 0 : i32
      %dma_wait3A_61 = tpu.memref_slice %arg6[%dma_wait3A_59, %dma_wait3A_60] : memref<18x80xi32, #tpu.memory_space<vmem>> -> memref<3x80xi32, #tpu.memory_space<vmem>>
      %dma_wait3A_62 = arith.constant 0 : i32
      %dma_wait3A_63 = arith.constant 0 : i32
      %dma_wait3A_64 = tpu.memref_slice %arg2[%add3A, %run_scoped3A_2, %dma_wait3A_62, %dma_wait3A_63] : memref<32x126x3x80xi32, #tpu.memory_space<hbm>> -> memref<1x1x3x80xi32, #tpu.memory_space<hbm>>
      %dma_wait3A_65 = tpu.memref_squeeze %dma_wait3A_64 : memref<1x1x3x80xi32, #tpu.memory_space<hbm>> -> memref<3x80xi32, #tpu.memory_space<hbm>>
      %dma_wait3A_66 = arith.constant 6 : i32
      %dma_wait3A_67 = arith.constant 0 : i32
      %dma_wait3A_68 = tpu.memref_slice %arg6[%dma_wait3A_66, %dma_wait3A_67] : memref<18x80xi32, #tpu.memory_space<vmem>> -> memref<3x80xi32, #tpu.memory_space<vmem>>
      %dma_wait3A_69 = arith.constant 0 : i32
      %dma_wait3A_70 = arith.constant 0 : i32
      %dma_wait3A_71 = tpu.memref_slice %arg2[%add3A, %run_scoped3A_2, %dma_wait3A_69, %dma_wait3A_70] : memref<32x126x3x80xi32, #tpu.memory_space<hbm>> -> memref<1x1x3x80xi32, #tpu.memory_space<hbm>>
      %dma_wait3A_72 = tpu.memref_squeeze %dma_wait3A_71 : memref<1x1x3x80xi32, #tpu.memory_space<hbm>> -> memref<3x80xi32, #tpu.memory_space<hbm>>
      tpu.wait_dma2 semaphore(%run_scoped3A_44 : memref<!tpu.dma_semaphore, #tpu.memory_space<semaphore_mem>>) src(%dma_wait3A_72 : memref<3x80xi32, #tpu.memory_space<hbm>>) dst(%dma_wait3A_68 : memref<3x80xi32, #tpu.memory_space<vmem>>)
      tpu.yield
    }) : () -> ()
    %lt3A = arith.constant 15 : i32
    %lt3A_3 = arith.cmpi slt, %arg1, %lt3A : i32
    %convert_element_type3A = arith.extui %lt3A_3 : i1 to i32
    %cond3A = arith.constant 0 : i32
    %cond3A_4 = arith.cmpi ne, %convert_element_type3A, %cond3A : i32
    scf.if %cond3A_4 {
      %mul3A_44 = arith.constant 624 : i32
      %mul3A_45 = arith.muli %arg1, %mul3A_44 : i32
      %mul3A_46 = arith.constant 624 : i32
      %mul3A_47 = arith.muli %arg1, %mul3A_46 : i32
      "tpu.region"() ({
        %run_scoped3A_48 = tpu.sem_alloc : memref<!tpu.dma_semaphore, #tpu.memory_space<semaphore_mem>>
        %dma_start3A_49 = arith.constant 0 : i32
        %dma_start3A_50 = tpu.memref_slice %arg11[%mul3A_47, %dma_start3A_49] : memref<10000x128xf32, #tpu.memory_space<vmem_shared>> -> memref<624x128xf32, #tpu.memory_space<vmem_shared>>
        %dma_start3A_51 = arith.constant 0 : i32
        %dma_start3A_52 = tpu.memref_slice %arg4[%mul3A_45, %dma_start3A_51] : memref<10000x128xf32, #tpu.memory_space<hbm>> -> memref<624x128xf32, #tpu.memory_space<hbm>>
        tpu.enqueue_dma source(%dma_start3A_52 : memref<624x128xf32, #tpu.memory_space<hbm>>) target(%dma_start3A_50 : memref<624x128xf32, #tpu.memory_space<vmem_shared>>) target_semaphore(%run_scoped3A_48 : memref<!tpu.dma_semaphore, #tpu.memory_space<semaphore_mem>>)
        %dma_wait3A_53 = arith.constant 0 : i32
        %dma_wait3A_54 = tpu.memref_slice %arg11[%mul3A_47, %dma_wait3A_53] : memref<10000x128xf32, #tpu.memory_space<vmem_shared>> -> memref<624x128xf32, #tpu.memory_space<vmem_shared>>
        %dma_wait3A_55 = arith.constant 0 : i32
        %dma_wait3A_56 = tpu.memref_slice %arg4[%mul3A_45, %dma_wait3A_55] : memref<10000x128xf32, #tpu.memory_space<hbm>> -> memref<624x128xf32, #tpu.memory_space<hbm>>
        tpu.wait_dma2 semaphore(%run_scoped3A_48 : memref<!tpu.dma_semaphore, #tpu.memory_space<semaphore_mem>>) src(%dma_wait3A_56 : memref<624x128xf32, #tpu.memory_space<hbm>>) dst(%dma_wait3A_54 : memref<624x128xf32, #tpu.memory_space<vmem_shared>>)
        tpu.yield
      }) : () -> ()
    } else {
    }
    %eq3A = arith.constant 15 : i32
    %eq3A_5 = arith.cmpi eq, %arg1, %eq3A : i32
    %convert_element_type3A_6 = arith.extui %eq3A_5 : i1 to i32
    %cond3A_7 = arith.constant 0 : i32
    %cond3A_8 = arith.cmpi ne, %convert_element_type3A_6, %cond3A_7 : i32
    scf.if %cond3A_8 {
      "tpu.region"() ({
        %run_scoped3A_44 = tpu.sem_alloc : memref<!tpu.dma_semaphore, #tpu.memory_space<semaphore_mem>>
        %dma_start3A_45 = arith.constant 9360 : i32
        %dma_start3A_46 = arith.constant 0 : i32
        %dma_start3A_47 = tpu.memref_slice %arg11[%dma_start3A_45, %dma_start3A_46] : memref<10000x128xf32, #tpu.memory_space<vmem_shared>> -> memref<640x128xf32, #tpu.memory_space<vmem_shared>>
        %dma_start3A_48 = arith.constant 9360 : i32
        %dma_start3A_49 = arith.constant 0 : i32
        %dma_start3A_50 = tpu.memref_slice %arg4[%dma_start3A_48, %dma_start3A_49] : memref<10000x128xf32, #tpu.memory_space<hbm>> -> memref<640x128xf32, #tpu.memory_space<hbm>>
        tpu.enqueue_dma source(%dma_start3A_50 : memref<640x128xf32, #tpu.memory_space<hbm>>) target(%dma_start3A_47 : memref<640x128xf32, #tpu.memory_space<vmem_shared>>) target_semaphore(%run_scoped3A_44 : memref<!tpu.dma_semaphore, #tpu.memory_space<semaphore_mem>>)
        %dma_wait3A_51 = arith.constant 9360 : i32
        %dma_wait3A_52 = arith.constant 0 : i32
        %dma_wait3A_53 = tpu.memref_slice %arg11[%dma_wait3A_51, %dma_wait3A_52] : memref<10000x128xf32, #tpu.memory_space<vmem_shared>> -> memref<640x128xf32, #tpu.memory_space<vmem_shared>>
        %dma_wait3A_54 = arith.constant 9360 : i32
        %dma_wait3A_55 = arith.constant 0 : i32
        %dma_wait3A_56 = tpu.memref_slice %arg4[%dma_wait3A_54, %dma_wait3A_55] : memref<10000x128xf32, #tpu.memory_space<hbm>> -> memref<640x128xf32, #tpu.memory_space<hbm>>
        tpu.wait_dma2 semaphore(%run_scoped3A_44 : memref<!tpu.dma_semaphore, #tpu.memory_space<semaphore_mem>>) src(%dma_wait3A_56 : memref<640x128xf32, #tpu.memory_space<hbm>>) dst(%dma_wait3A_53 : memref<640x128xf32, #tpu.memory_space<vmem_shared>>)
        tpu.yield
      }) : () -> ()
    } else {
    }
    %barrier3A = arith.constant 0 : index
    tpu.barrier barrier_id(%barrier3A)
    %dma_start3A = arith.constant 0 : i32
    %dma_start3A_9 = arith.constant 0 : i32
    %dma_start3A_10 = tpu.memref_slice %arg6[%dma_start3A, %dma_start3A_9] : memref<18x80xi32, #tpu.memory_space<vmem>> -> memref<1x80xi32, #tpu.memory_space<vmem>>
    %dma_start3A_11 = tpu.memref_squeeze %dma_start3A_10 : memref<1x80xi32, #tpu.memory_space<vmem>> -> memref<80xi32, #tpu.memory_space<vmem>>
    %dma_start3A_12 = arith.constant 0 : i32
    %dma_start3A_13 = arith.constant 0 : i32
    %dma_start3A_14 = tpu.memref_slice %arg3[%dma_start3A_12, %dma_start3A_13] : memref<10000x128xf32, #tpu.memory_space<hbm>> -> memref<10000x128xf32, #tpu.memory_space<hbm>>
    tpu.enqueue_indirect_dma source(%dma_start3A_14 : memref<10000x128xf32, #tpu.memory_space<hbm>>) target(%arg7 : memref<80x128xf32, #tpu.memory_space<vmem>>) offsets(%dma_start3A_11 : memref<80xi32, #tpu.memory_space<vmem>>) semaphore(%arg12 : memref<!tpu.dma_semaphore, #tpu.memory_space<semaphore_mem>>)
    %scan3A = arith.constant 0 : i32
    %scan3A_15 = arith.constant 0 : i32
    %scan3A_16 = arith.constant 63 : i32
    %scan3A_17 = arith.addi %scan3A_15, %scan3A_16 : i32
    %scan3A_18 = arith.constant 1 : i32
    scf.for %scan3A_44 = %scan3A_15 to %scan3A_17 step %scan3A_18  : i32 {
      %mul3A_45 = arith.constant 2 : i32
      %mul3A_46 = arith.muli %mul3A_45, %scan3A_44 : i32
      %mul3A_47 = arith.constant 2 : i32
      %mul3A_48 = arith.muli %mul3A_47, %scan3A_44 : i32
      %add3A_49 = arith.constant 1 : i32
      %add3A_50 = arith.addi %mul3A_48, %add3A_49 : i32
      %rem3A = arith.constant 6 : i32
      %rem3A_51 = arith.remsi %mul3A_46, %rem3A : i32
      %add3A_52 = arith.constant 1 : i32
      %add3A_53 = arith.addi %rem3A_51, %add3A_52 : i32
      %add3A_54 = arith.constant 2 : i32
      %add3A_55 = arith.addi %mul3A_46, %add3A_54 : i32
      %rem3A_56 = arith.constant 6 : i32
      %rem3A_57 = arith.remsi %add3A_55, %rem3A_56 : i32
      %add3A_58 = arith.constant 4 : i32
      %add3A_59 = arith.addi %mul3A_46, %add3A_58 : i32
      %rem3A_60 = arith.constant 6 : i32
      %rem3A_61 = arith.remsi %add3A_59, %rem3A_60 : i32
      %add3A_62 = arith.constant 1 : i32
      %add3A_63 = arith.addi %rem3A_61, %add3A_62 : i32
      %gt3A = arith.constant 0 : i32
      %gt3A_64 = arith.cmpi sgt, %scan3A_44, %gt3A : i32
      %convert_element_type3A_65 = arith.extui %gt3A_64 : i1 to i32
      %cond3A_66 = arith.constant 0 : i32
      %cond3A_67 = arith.cmpi ne, %convert_element_type3A_65, %cond3A_66 : i32
      scf.if %cond3A_67 {
        %dma_wait3A_157 = arith.constant 0 : i32
        %dma_wait3A_158 = arith.constant 0 : i32
        %dma_wait3A_159 = arith.constant 0 : i32
        %dma_wait3A_160 = tpu.memref_slice %arg6[%dma_wait3A_158, %dma_wait3A_159] : memref<18x80xi32, #tpu.memory_space<vmem>> -> memref<3x80xi32, #tpu.memory_space<vmem>>
        %dma_wait3A_161 = arith.constant 0 : i32
        %dma_wait3A_162 = arith.constant 0 : i32
        %dma_wait3A_163 = tpu.memref_slice %arg2[%add3A, %dma_wait3A_157, %dma_wait3A_161, %dma_wait3A_162] : memref<32x126x3x80xi32, #tpu.memory_space<hbm>> -> memref<1x1x3x80xi32, #tpu.memory_space<hbm>>
        %dma_wait3A_164 = tpu.memref_squeeze %dma_wait3A_163 : memref<1x1x3x80xi32, #tpu.memory_space<hbm>> -> memref<3x80xi32, #tpu.memory_space<hbm>>
        %dma_wait3A_165 = arith.constant 0 : i32
        %dma_wait3A_166 = arith.constant 0 : i32
        %dma_wait3A_167 = tpu.memref_slice %arg6[%dma_wait3A_165, %dma_wait3A_166] : memref<18x80xi32, #tpu.memory_space<vmem>> -> memref<3x80xi32, #tpu.memory_space<vmem>>
        %dma_wait3A_168 = arith.constant 0 : i32
        %dma_wait3A_169 = arith.constant 0 : i32
        %dma_wait3A_170 = tpu.memref_slice %arg2[%add3A, %dma_wait3A_157, %dma_wait3A_168, %dma_wait3A_169] : memref<32x126x3x80xi32, #tpu.memory_space<hbm>> -> memref<1x1x3x80xi32, #tpu.memory_space<hbm>>
        %dma_wait3A_171 = tpu.memref_squeeze %dma_wait3A_170 : memref<1x1x3x80xi32, #tpu.memory_space<hbm>> -> memref<3x80xi32, #tpu.memory_space<hbm>>
        tpu.wait_dma2 semaphore(%arg17 : memref<!tpu.dma_semaphore, #tpu.memory_space<semaphore_mem>>) src(%dma_wait3A_171 : memref<3x80xi32, #tpu.memory_space<hbm>>) dst(%dma_wait3A_167 : memref<3x80xi32, #tpu.memory_space<vmem>>)
      } else {
      }
      %mul3A_68 = arith.constant 3 : i32
      %mul3A_69 = arith.muli %mul3A_68, %add3A_53 : i32
      %dma_start3A_70 = arith.constant 0 : i32
      %dma_start3A_71 = tpu.memref_slice %arg6[%mul3A_69, %dma_start3A_70] : memref<18x80xi32, #tpu.memory_space<vmem>> -> memref<1x80xi32, #tpu.memory_space<vmem>>
      %dma_start3A_72 = tpu.memref_squeeze %dma_start3A_71 : memref<1x80xi32, #tpu.memory_space<vmem>> -> memref<80xi32, #tpu.memory_space<vmem>>
      %dma_start3A_73 = arith.constant 0 : i32
      %dma_start3A_74 = arith.constant 0 : i32
      %dma_start3A_75 = tpu.memref_slice %arg3[%dma_start3A_73, %dma_start3A_74] : memref<10000x128xf32, #tpu.memory_space<hbm>> -> memref<10000x128xf32, #tpu.memory_space<hbm>>
      tpu.enqueue_indirect_dma source(%dma_start3A_75 : memref<10000x128xf32, #tpu.memory_space<hbm>>) target(%arg8 : memref<80x128xf32, #tpu.memory_space<vmem>>) offsets(%dma_start3A_72 : memref<80xi32, #tpu.memory_space<vmem>>) semaphore(%arg13 : memref<!tpu.dma_semaphore, #tpu.memory_space<semaphore_mem>>)
      %mul3A_76 = arith.constant 3 : i32
      %mul3A_77 = arith.muli %mul3A_76, %rem3A_51 : i32
      %dma_wait3A_78 = arith.constant 0 : i32
      %dma_wait3A_79 = tpu.memref_slice %arg6[%mul3A_77, %dma_wait3A_78] : memref<18x80xi32, #tpu.memory_space<vmem>> -> memref<1x80xi32, #tpu.memory_space<vmem>>
      %dma_wait3A_80 = tpu.memref_squeeze %dma_wait3A_79 : memref<1x80xi32, #tpu.memory_space<vmem>> -> memref<80xi32, #tpu.memory_space<vmem>>
      %dma_wait3A_81 = arith.constant 0 : i32
      %dma_wait3A_82 = arith.constant 0 : i32
      %dma_wait3A_83 = tpu.memref_slice %arg3[%dma_wait3A_81, %dma_wait3A_82] : memref<10000x128xf32, #tpu.memory_space<hbm>> -> memref<10000x128xf32, #tpu.memory_space<hbm>>
      tpu.wait_indirect_dma semaphore(%arg12 : memref<!tpu.dma_semaphore, #tpu.memory_space<semaphore_mem>>) src(%dma_wait3A_83 : memref<10000x128xf32, #tpu.memory_space<hbm>>) dst(%arg7 : memref<80x128xf32, #tpu.memory_space<vmem>>)
      %gt3A_84 = arith.constant 0 : i32
      %gt3A_85 = arith.cmpi sgt, %scan3A_44, %gt3A_84 : i32
      %convert_element_type3A_86 = arith.extui %gt3A_85 : i1 to i32
      %cond3A_87 = arith.constant 0 : i32
      %cond3A_88 = arith.cmpi ne, %convert_element_type3A_86, %cond3A_87 : i32
      scf.if %cond3A_88 {
        %mul3A_157 = arith.constant 3 : i32
        %mul3A_158 = arith.muli %mul3A_157, %rem3A_61 : i32
        %add3A_159 = arith.constant 1 : i32
        %add3A_160 = arith.addi %mul3A_158, %add3A_159 : i32
        %dma_wait3A_161 = arith.constant 0 : i32
        %dma_wait3A_162 = tpu.memref_slice %arg6[%add3A_160, %dma_wait3A_161] : memref<18x80xi32, #tpu.memory_space<vmem>> -> memref<1x80xi32, #tpu.memory_space<vmem>>
        %dma_wait3A_163 = tpu.memref_squeeze %dma_wait3A_162 : memref<1x80xi32, #tpu.memory_space<vmem>> -> memref<80xi32, #tpu.memory_space<vmem>>
        %dma_wait3A_164 = arith.constant 0 : i32
        %dma_wait3A_165 = arith.constant 0 : i32
        %dma_wait3A_166 = tpu.memref_slice %arg11[%dma_wait3A_164, %dma_wait3A_165] : memref<10000x128xf32, #tpu.memory_space<vmem_shared>> -> memref<10000x128xf32, #tpu.memory_space<vmem_shared>>
        tpu.wait_indirect_dma semaphore(%arg14 : memref<!tpu.dma_semaphore, #tpu.memory_space<semaphore_mem>>) src(%arg9 : memref<80x128xf32, #tpu.memory_space<vmem>>) dst(%dma_wait3A_166 : memref<10000x128xf32, #tpu.memory_space<vmem_shared>>)
      } else {
      }
      %mul3A_89 = arith.constant 3 : i32
      %mul3A_90 = arith.muli %mul3A_89, %rem3A_51 : i32
      %add3A_91 = arith.constant 2 : i32
      %add3A_92 = arith.addi %mul3A_90, %add3A_91 : i32
      %parallel_loop3A = arith.constant 0 : i32
      %parallel_loop3A_93 = arith.constant 80 : i32
      %parallel_loop3A_94 = arith.constant 1 : i32
      scf.for %parallel_loop3A_157 = %parallel_loop3A to %parallel_loop3A_93 step %parallel_loop3A_94  : i32 {
        %parallel_loop3A_158 = vector.broadcast %add3A_92 : i32 to vector<16xi32>
        %parallel_loop3A_159 = vector.broadcast %parallel_loop3A_157 : i32 to vector<16xi32>
        %parallel_loop3A_160 = tpu.vector_load_idx %arg6[%parallel_loop3A_158, %parallel_loop3A_159] : memref<18x80xi32, #tpu.memory_space<vmem>>[vector<16xi32>, vector<16xi32>], vector<16xi32>,
        %parallel_loop3A_161 = vector.bitcast %parallel_loop3A_160 : vector<16xi32> to vector<16xf32>
        %parallel_loop3A_162 = arith.index_cast %parallel_loop3A_157 : i32 to index
        %parallel_loop3A_163 = arith.constant 0 : index
        %parallel_loop3A_164 = tpu.vector_load %arg7[%parallel_loop3A_162, %parallel_loop3A_163] {strides = array<i32>} : memref<80x128xf32, #tpu.memory_space<vmem>>, vector<16xf32>,
        %parallel_loop3A_165 = arith.mulf %parallel_loop3A_164, %parallel_loop3A_161 : vector<16xf32>
        %parallel_loop3A_166 = arith.index_cast %parallel_loop3A_157 : i32 to index
        %parallel_loop3A_167 = arith.constant 0 : index
        %parallel_loop3A_168 = tpu.vector_load %arg9[%parallel_loop3A_166, %parallel_loop3A_167] {strides = array<i32>} : memref<80x128xf32, #tpu.memory_space<vmem>>, vector<16xf32>,
        tpu.vector_store %arg9[%parallel_loop3A_166, %parallel_loop3A_167], %parallel_loop3A_165 {strides = array<i32>} : memref<80x128xf32, #tpu.memory_space<vmem>>, vector<16xf32>,
        %parallel_loop3A_169 = arith.index_cast %parallel_loop3A_157 : i32 to index
        %parallel_loop3A_170 = arith.constant 16 : index
        %parallel_loop3A_171 = tpu.vector_load %arg7[%parallel_loop3A_169, %parallel_loop3A_170] {strides = array<i32>} : memref<80x128xf32, #tpu.memory_space<vmem>>, vector<16xf32>,
        %parallel_loop3A_172 = arith.mulf %parallel_loop3A_171, %parallel_loop3A_161 : vector<16xf32>
        %parallel_loop3A_173 = arith.index_cast %parallel_loop3A_157 : i32 to index
        %parallel_loop3A_174 = arith.constant 16 : index
        %parallel_loop3A_175 = tpu.vector_load %arg9[%parallel_loop3A_173, %parallel_loop3A_174] {strides = array<i32>} : memref<80x128xf32, #tpu.memory_space<vmem>>, vector<16xf32>,
        tpu.vector_store %arg9[%parallel_loop3A_173, %parallel_loop3A_174], %parallel_loop3A_172 {strides = array<i32>} : memref<80x128xf32, #tpu.memory_space<vmem>>, vector<16xf32>,
        %parallel_loop3A_176 = arith.index_cast %parallel_loop3A_157 : i32 to index
        %parallel_loop3A_177 = arith.constant 32 : index
        %parallel_loop3A_178 = tpu.vector_load %arg7[%parallel_loop3A_176, %parallel_loop3A_177] {strides = array<i32>} : memref<80x128xf32, #tpu.memory_space<vmem>>, vector<16xf32>,
        %parallel_loop3A_179 = arith.mulf %parallel_loop3A_178, %parallel_loop3A_161 : vector<16xf32>
        %parallel_loop3A_180 = arith.index_cast %parallel_loop3A_157 : i32 to index
        %parallel_loop3A_181 = arith.constant 32 : index
        %parallel_loop3A_182 = tpu.vector_load %arg9[%parallel_loop3A_180, %parallel_loop3A_181] {strides = array<i32>} : memref<80x128xf32, #tpu.memory_space<vmem>>, vector<16xf32>,
        tpu.vector_store %arg9[%parallel_loop3A_180, %parallel_loop3A_181], %parallel_loop3A_179 {strides = array<i32>} : memref<80x128xf32, #tpu.memory_space<vmem>>, vector<16xf32>,
        %parallel_loop3A_183 = arith.index_cast %parallel_loop3A_157 : i32 to index
        %parallel_loop3A_184 = arith.constant 48 : index
        %parallel_loop3A_185 = tpu.vector_load %arg7[%parallel_loop3A_183, %parallel_loop3A_184] {strides = array<i32>} : memref<80x128xf32, #tpu.memory_space<vmem>>, vector<16xf32>,
        %parallel_loop3A_186 = arith.mulf %parallel_loop3A_185, %parallel_loop3A_161 : vector<16xf32>
        %parallel_loop3A_187 = arith.index_cast %parallel_loop3A_157 : i32 to index
        %parallel_loop3A_188 = arith.constant 48 : index
        %parallel_loop3A_189 = tpu.vector_load %arg9[%parallel_loop3A_187, %parallel_loop3A_188] {strides = array<i32>} : memref<80x128xf32, #tpu.memory_space<vmem>>, vector<16xf32>,
        tpu.vector_store %arg9[%parallel_loop3A_187, %parallel_loop3A_188], %parallel_loop3A_186 {strides = array<i32>} : memref<80x128xf32, #tpu.memory_space<vmem>>, vector<16xf32>,
        %parallel_loop3A_190 = arith.index_cast %parallel_loop3A_157 : i32 to index
        %parallel_loop3A_191 = arith.constant 64 : index
        %parallel_loop3A_192 = tpu.vector_load %arg7[%parallel_loop3A_190, %parallel_loop3A_191] {strides = array<i32>} : memref<80x128xf32, #tpu.memory_space<vmem>>, vector<16xf32>,
        %parallel_loop3A_193 = arith.mulf %parallel_loop3A_192, %parallel_loop3A_161 : vector<16xf32>
        %parallel_loop3A_194 = arith.index_cast %parallel_loop3A_157 : i32 to index
        %parallel_loop3A_195 = arith.constant 64 : index
        %parallel_loop3A_196 = tpu.vector_load %arg9[%parallel_loop3A_194, %parallel_loop3A_195] {strides = array<i32>} : memref<80x128xf32, #tpu.memory_space<vmem>>, vector<16xf32>,
        tpu.vector_store %arg9[%parallel_loop3A_194, %parallel_loop3A_195], %parallel_loop3A_193 {strides = array<i32>} : memref<80x128xf32, #tpu.memory_space<vmem>>, vector<16xf32>,
        %parallel_loop3A_197 = arith.index_cast %parallel_loop3A_157 : i32 to index
        %parallel_loop3A_198 = arith.constant 80 : index
        %parallel_loop3A_199 = tpu.vector_load %arg7[%parallel_loop3A_197, %parallel_loop3A_198] {strides = array<i32>} : memref<80x128xf32, #tpu.memory_space<vmem>>, vector<16xf32>,
        %parallel_loop3A_200 = arith.mulf %parallel_loop3A_199, %parallel_loop3A_161 : vector<16xf32>
        %parallel_loop3A_201 = arith.index_cast %parallel_loop3A_157 : i32 to index
        %parallel_loop3A_202 = arith.constant 80 : index
        %parallel_loop3A_203 = tpu.vector_load %arg9[%parallel_loop3A_201, %parallel_loop3A_202] {strides = array<i32>} : memref<80x128xf32, #tpu.memory_space<vmem>>, vector<16xf32>,
        tpu.vector_store %arg9[%parallel_loop3A_201, %parallel_loop3A_202], %parallel_loop3A_200 {strides = array<i32>} : memref<80x128xf32, #tpu.memory_space<vmem>>, vector<16xf32>,
        %parallel_loop3A_204 = arith.index_cast %parallel_loop3A_157 : i32 to index
        %parallel_loop3A_205 = arith.constant 96 : index
        %parallel_loop3A_206 = tpu.vector_load %arg7[%parallel_loop3A_204, %parallel_loop3A_205] {strides = array<i32>} : memref<80x128xf32, #tpu.memory_space<vmem>>, vector<16xf32>,
        %parallel_loop3A_207 = arith.mulf %parallel_loop3A_206, %parallel_loop3A_161 : vector<16xf32>
        %parallel_loop3A_208 = arith.index_cast %parallel_loop3A_157 : i32 to index
        %parallel_loop3A_209 = arith.constant 96 : index
        %parallel_loop3A_210 = tpu.vector_load %arg9[%parallel_loop3A_208, %parallel_loop3A_209] {strides = array<i32>} : memref<80x128xf32, #tpu.memory_space<vmem>>, vector<16xf32>,
        tpu.vector_store %arg9[%parallel_loop3A_208, %parallel_loop3A_209], %parallel_loop3A_207 {strides = array<i32>} : memref<80x128xf32, #tpu.memory_space<vmem>>, vector<16xf32>,
        %parallel_loop3A_211 = arith.index_cast %parallel_loop3A_157 : i32 to index
        %parallel_loop3A_212 = arith.constant 112 : index
        %parallel_loop3A_213 = tpu.vector_load %arg7[%parallel_loop3A_211, %parallel_loop3A_212] {strides = array<i32>} : memref<80x128xf32, #tpu.memory_space<vmem>>, vector<16xf32>,
        %parallel_loop3A_214 = arith.mulf %parallel_loop3A_213, %parallel_loop3A_161 : vector<16xf32>
        %parallel_loop3A_215 = arith.index_cast %parallel_loop3A_157 : i32 to index
        %parallel_loop3A_216 = arith.constant 112 : index
        %parallel_loop3A_217 = tpu.vector_load %arg9[%parallel_loop3A_215, %parallel_loop3A_216] {strides = array<i32>} : memref<80x128xf32, #tpu.memory_space<vmem>>, vector<16xf32>,
        tpu.vector_store %arg9[%parallel_loop3A_215, %parallel_loop3A_216], %parallel_loop3A_214 {strides = array<i32>} : memref<80x128xf32, #tpu.memory_space<vmem>>, vector<16xf32>,
      } {sc.loop_unroll_factor = 4 : i64, sc.parallel_access}
      %mul3A_95 = arith.constant 3 : i32
      %mul3A_96 = arith.muli %mul3A_95, %rem3A_51 : i32
      %add3A_97 = arith.constant 1 : i32
      %add3A_98 = arith.addi %mul3A_96, %add3A_97 : i32
      %dma_start3A_99 = arith.constant 0 : i32
      %dma_start3A_100 = tpu.memref_slice %arg6[%add3A_98, %dma_start3A_99] : memref<18x80xi32, #tpu.memory_space<vmem>> -> memref<1x80xi32, #tpu.memory_space<vmem>>
      %dma_start3A_101 = tpu.memref_squeeze %dma_start3A_100 : memref<1x80xi32, #tpu.memory_space<vmem>> -> memref<80xi32, #tpu.memory_space<vmem>>
      %dma_start3A_102 = arith.constant 0 : i32
      %dma_start3A_103 = arith.constant 0 : i32
      %dma_start3A_104 = tpu.memref_slice %arg11[%dma_start3A_102, %dma_start3A_103] : memref<10000x128xf32, #tpu.memory_space<vmem_shared>> -> memref<10000x128xf32, #tpu.memory_space<vmem_shared>>
      tpu.enqueue_indirect_dma source(%arg9 : memref<80x128xf32, #tpu.memory_space<vmem>>) target(%dma_start3A_104 : memref<10000x128xf32, #tpu.memory_space<vmem_shared>>) offsets(%dma_start3A_101 : memref<80xi32, #tpu.memory_space<vmem>>) semaphore(%arg14 : memref<!tpu.dma_semaphore, #tpu.memory_space<semaphore_mem>>) {add = true}
      %gt3A_105 = arith.constant 0 : i32
      %gt3A_106 = arith.cmpi sgt, %scan3A_44, %gt3A_105 : i32
      %lt3A_107 = arith.constant 62 : i32
      %lt3A_108 = arith.cmpi slt, %scan3A_44, %lt3A_107 : i32
      %and3A = arith.andi %gt3A_106, %lt3A_108 : i1
      %convert_element_type3A_109 = arith.extui %and3A : i1 to i32
      %cond3A_110 = arith.constant 0 : i32
      %cond3A_111 = arith.cmpi ne, %convert_element_type3A_109, %cond3A_110 : i32
      scf.if %cond3A_111 {
        %dma_wait3A_157 = arith.constant 0 : i32
        %dma_wait3A_158 = arith.constant 0 : i32
        %dma_wait3A_159 = arith.constant 0 : i32
        %dma_wait3A_160 = tpu.memref_slice %arg6[%dma_wait3A_158, %dma_wait3A_159] : memref<18x80xi32, #tpu.memory_space<vmem>> -> memref<3x80xi32, #tpu.memory_space<vmem>>
        %dma_wait3A_161 = arith.constant 0 : i32
        %dma_wait3A_162 = arith.constant 0 : i32
        %dma_wait3A_163 = tpu.memref_slice %arg2[%add3A, %dma_wait3A_157, %dma_wait3A_161, %dma_wait3A_162] : memref<32x126x3x80xi32, #tpu.memory_space<hbm>> -> memref<1x1x3x80xi32, #tpu.memory_space<hbm>>
        %dma_wait3A_164 = tpu.memref_squeeze %dma_wait3A_163 : memref<1x1x3x80xi32, #tpu.memory_space<hbm>> -> memref<3x80xi32, #tpu.memory_space<hbm>>
        %dma_wait3A_165 = arith.constant 0 : i32
        %dma_wait3A_166 = arith.constant 0 : i32
        %dma_wait3A_167 = tpu.memref_slice %arg6[%dma_wait3A_165, %dma_wait3A_166] : memref<18x80xi32, #tpu.memory_space<vmem>> -> memref<3x80xi32, #tpu.memory_space<vmem>>
        %dma_wait3A_168 = arith.constant 0 : i32
        %dma_wait3A_169 = arith.constant 0 : i32
        %dma_wait3A_170 = tpu.memref_slice %arg2[%add3A, %dma_wait3A_157, %dma_wait3A_168, %dma_wait3A_169] : memref<32x126x3x80xi32, #tpu.memory_space<hbm>> -> memref<1x1x3x80xi32, #tpu.memory_space<hbm>>
        %dma_wait3A_171 = tpu.memref_squeeze %dma_wait3A_170 : memref<1x1x3x80xi32, #tpu.memory_space<hbm>> -> memref<3x80xi32, #tpu.memory_space<hbm>>
        tpu.wait_dma2 semaphore(%arg16 : memref<!tpu.dma_semaphore, #tpu.memory_space<semaphore_mem>>) src(%dma_wait3A_171 : memref<3x80xi32, #tpu.memory_space<hbm>>) dst(%dma_wait3A_167 : memref<3x80xi32, #tpu.memory_space<vmem>>)
      } else {
      }
      %lt3A_112 = arith.constant 62 : i32
      %lt3A_113 = arith.cmpi slt, %scan3A_44, %lt3A_112 : i32
      %convert_element_type3A_114 = arith.extui %lt3A_113 : i1 to i32
      %cond3A_115 = arith.constant 0 : i32
      %cond3A_116 = arith.cmpi ne, %convert_element_type3A_114, %cond3A_115 : i32
      scf.if %cond3A_116 {
        %mul3A_157 = arith.constant 3 : i32
        %mul3A_158 = arith.muli %mul3A_157, %rem3A_57 : i32
        %dma_start3A_159 = arith.constant 0 : i32
        %dma_start3A_160 = tpu.memref_slice %arg6[%mul3A_158, %dma_start3A_159] : memref<18x80xi32, #tpu.memory_space<vmem>> -> memref<1x80xi32, #tpu.memory_space<vmem>>
        %dma_start3A_161 = tpu.memref_squeeze %dma_start3A_160 : memref<1x80xi32, #tpu.memory_space<vmem>> -> memref<80xi32, #tpu.memory_space<vmem>>
        %dma_start3A_162 = arith.constant 0 : i32
        %dma_start3A_163 = arith.constant 0 : i32
        %dma_start3A_164 = tpu.memref_slice %arg3[%dma_start3A_162, %dma_start3A_163] : memref<10000x128xf32, #tpu.memory_space<hbm>> -> memref<10000x128xf32, #tpu.memory_space<hbm>>
        tpu.enqueue_indirect_dma source(%dma_start3A_164 : memref<10000x128xf32, #tpu.memory_space<hbm>>) target(%arg7 : memref<80x128xf32, #tpu.memory_space<vmem>>) offsets(%dma_start3A_161 : memref<80xi32, #tpu.memory_space<vmem>>) semaphore(%arg12 : memref<!tpu.dma_semaphore, #tpu.memory_space<semaphore_mem>>)
      } else {
      }
      %lt3A_117 = arith.constant 61 : i32
      %lt3A_118 = arith.cmpi slt, %scan3A_44, %lt3A_117 : i32
      %convert_element_type3A_119 = arith.extui %lt3A_118 : i1 to i32
      %cond3A_120 = arith.constant 0 : i32
      %cond3A_121 = arith.cmpi ne, %convert_element_type3A_119, %cond3A_120 : i32
      scf.if %cond3A_121 {
        %add3A_157 = arith.constant 4 : i32
        %add3A_158 = arith.addi %mul3A_46, %add3A_157 : i32
        %mul3A_159 = arith.constant 3 : i32
        %mul3A_160 = arith.muli %mul3A_159, %rem3A_61 : i32
        %dma_start3A_161 = arith.constant 0 : i32
        %dma_start3A_162 = tpu.memref_slice %arg6[%mul3A_160, %dma_start3A_161] : memref<18x80xi32, #tpu.memory_space<vmem>> -> memref<3x80xi32, #tpu.memory_space<vmem>>
        %dma_start3A_163 = arith.constant 0 : i32
        %dma_start3A_164 = arith.constant 0 : i32
        %dma_start3A_165 = tpu.memref_slice %arg2[%add3A, %add3A_158, %dma_start3A_163, %dma_start3A_164] : memref<32x126x3x80xi32, #tpu.memory_space<hbm>> -> memref<1x1x3x80xi32, #tpu.memory_space<hbm>>
        %dma_start3A_166 = tpu.memref_squeeze %dma_start3A_165 : memref<1x1x3x80xi32, #tpu.memory_space<hbm>> -> memref<3x80xi32, #tpu.memory_space<hbm>>
        %dma_start3A_167 = arith.constant 0 : i32
        %dma_start3A_168 = tpu.memref_slice %arg6[%mul3A_160, %dma_start3A_167] : memref<18x80xi32, #tpu.memory_space<vmem>> -> memref<3x80xi32, #tpu.memory_space<vmem>>
        %dma_start3A_169 = arith.constant 0 : i32
        %dma_start3A_170 = arith.constant 0 : i32
        %dma_start3A_171 = tpu.memref_slice %arg2[%add3A, %add3A_158, %dma_start3A_169, %dma_start3A_170] : memref<32x126x3x80xi32, #tpu.memory_space<hbm>> -> memref<1x1x3x80xi32, #tpu.memory_space<hbm>>
        %dma_start3A_172 = tpu.memref_squeeze %dma_start3A_171 : memref<1x1x3x80xi32, #tpu.memory_space<hbm>> -> memref<3x80xi32, #tpu.memory_space<hbm>>
        tpu.enqueue_dma source(%dma_start3A_172 : memref<3x80xi32, #tpu.memory_space<hbm>>) target(%dma_start3A_168 : memref<3x80xi32, #tpu.memory_space<vmem>>) target_semaphore(%arg16 : memref<!tpu.dma_semaphore, #tpu.memory_space<semaphore_mem>>)
      } else {
      }
      %mul3A_122 = arith.constant 3 : i32
      %mul3A_123 = arith.muli %mul3A_122, %add3A_53 : i32
      %dma_wait3A_124 = arith.constant 0 : i32
      %dma_wait3A_125 = tpu.memref_slice %arg6[%mul3A_123, %dma_wait3A_124] : memref<18x80xi32, #tpu.memory_space<vmem>> -> memref<1x80xi32, #tpu.memory_space<vmem>>
      %dma_wait3A_126 = tpu.memref_squeeze %dma_wait3A_125 : memref<1x80xi32, #tpu.memory_space<vmem>> -> memref<80xi32, #tpu.memory_space<vmem>>
      %dma_wait3A_127 = arith.constant 0 : i32
      %dma_wait3A_128 = arith.constant 0 : i32
      %dma_wait3A_129 = tpu.memref_slice %arg3[%dma_wait3A_127, %dma_wait3A_128] : memref<10000x128xf32, #tpu.memory_space<hbm>> -> memref<10000x128xf32, #tpu.memory_space<hbm>>
      tpu.wait_indirect_dma semaphore(%arg13 : memref<!tpu.dma_semaphore, #tpu.memory_space<semaphore_mem>>) src(%dma_wait3A_129 : memref<10000x128xf32, #tpu.memory_space<hbm>>) dst(%arg8 : memref<80x128xf32, #tpu.memory_space<vmem>>)
      %gt3A_130 = arith.constant 0 : i32
      %gt3A_131 = arith.cmpi sgt, %scan3A_44, %gt3A_130 : i32
      %convert_element_type3A_132 = arith.extui %gt3A_131 : i1 to i32
      %cond3A_133 = arith.constant 0 : i32
      %cond3A_134 = arith.cmpi ne, %convert_element_type3A_132, %cond3A_133 : i32
      scf.if %cond3A_134 {
        %mul3A_157 = arith.constant 3 : i32
        %mul3A_158 = arith.muli %mul3A_157, %add3A_63 : i32
        %add3A_159 = arith.constant 1 : i32
        %add3A_160 = arith.addi %mul3A_158, %add3A_159 : i32
        %dma_wait3A_161 = arith.constant 0 : i32
        %dma_wait3A_162 = tpu.memref_slice %arg6[%add3A_160, %dma_wait3A_161] : memref<18x80xi32, #tpu.memory_space<vmem>> -> memref<1x80xi32, #tpu.memory_space<vmem>>
        %dma_wait3A_163 = tpu.memref_squeeze %dma_wait3A_162 : memref<1x80xi32, #tpu.memory_space<vmem>> -> memref<80xi32, #tpu.memory_space<vmem>>
        %dma_wait3A_164 = arith.constant 0 : i32
        %dma_wait3A_165 = arith.constant 0 : i32
        %dma_wait3A_166 = tpu.memref_slice %arg11[%dma_wait3A_164, %dma_wait3A_165] : memref<10000x128xf32, #tpu.memory_space<vmem_shared>> -> memref<10000x128xf32, #tpu.memory_space<vmem_shared>>
        tpu.wait_indirect_dma semaphore(%arg15 : memref<!tpu.dma_semaphore, #tpu.memory_space<semaphore_mem>>) src(%arg10 : memref<80x128xf32, #tpu.memory_space<vmem>>) dst(%dma_wait3A_166 : memref<10000x128xf32, #tpu.memory_space<vmem_shared>>)
      } else {
      }
      %mul3A_135 = arith.constant 3 : i32
      %mul3A_136 = arith.muli %mul3A_135, %add3A_53 : i32
      %add3A_137 = arith.constant 2 : i32
      %add3A_138 = arith.addi %mul3A_136, %add3A_137 : i32
      %parallel_loop3A_139 = arith.constant 0 : i32
      %parallel_loop3A_140 = arith.constant 80 : i32
      %parallel_loop3A_141 = arith.constant 1 : i32
      scf.for %parallel_loop3A_157 = %parallel_loop3A_139 to %parallel_loop3A_140 step %parallel_loop3A_141  : i32 {
        %parallel_loop3A_158 = vector.broadcast %add3A_138 : i32 to vector<16xi32>
        %parallel_loop3A_159 = vector.broadcast %parallel_loop3A_157 : i32 to vector<16xi32>
        %parallel_loop3A_160 = tpu.vector_load_idx %arg6[%parallel_loop3A_158, %parallel_loop3A_159] : memref<18x80xi32, #tpu.memory_space<vmem>>[vector<16xi32>, vector<16xi32>], vector<16xi32>,
        %parallel_loop3A_161 = vector.bitcast %parallel_loop3A_160 : vector<16xi32> to vector<16xf32>
        %parallel_loop3A_162 = arith.index_cast %parallel_loop3A_157 : i32 to index
        %parallel_loop3A_163 = arith.constant 0 : index
        %parallel_loop3A_164 = tpu.vector_load %arg8[%parallel_loop3A_162, %parallel_loop3A_163] {strides = array<i32>} : memref<80x128xf32, #tpu.memory_space<vmem>>, vector<16xf32>,
        %parallel_loop3A_165 = arith.mulf %parallel_loop3A_164, %parallel_loop3A_161 : vector<16xf32>
        %parallel_loop3A_166 = arith.index_cast %parallel_loop3A_157 : i32 to index
        %parallel_loop3A_167 = arith.constant 0 : index
        %parallel_loop3A_168 = tpu.vector_load %arg10[%parallel_loop3A_166, %parallel_loop3A_167] {strides = array<i32>} : memref<80x128xf32, #tpu.memory_space<vmem>>, vector<16xf32>,
        tpu.vector_store %arg10[%parallel_loop3A_166, %parallel_loop3A_167], %parallel_loop3A_165 {strides = array<i32>} : memref<80x128xf32, #tpu.memory_space<vmem>>, vector<16xf32>,
        %parallel_loop3A_169 = arith.index_cast %parallel_loop3A_157 : i32 to index
        %parallel_loop3A_170 = arith.constant 16 : index
        %parallel_loop3A_171 = tpu.vector_load %arg8[%parallel_loop3A_169, %parallel_loop3A_170] {strides = array<i32>} : memref<80x128xf32, #tpu.memory_space<vmem>>, vector<16xf32>,
        %parallel_loop3A_172 = arith.mulf %parallel_loop3A_171, %parallel_loop3A_161 : vector<16xf32>
        %parallel_loop3A_173 = arith.index_cast %parallel_loop3A_157 : i32 to index
        %parallel_loop3A_174 = arith.constant 16 : index
        %parallel_loop3A_175 = tpu.vector_load %arg10[%parallel_loop3A_173, %parallel_loop3A_174] {strides = array<i32>} : memref<80x128xf32, #tpu.memory_space<vmem>>, vector<16xf32>,
        tpu.vector_store %arg10[%parallel_loop3A_173, %parallel_loop3A_174], %parallel_loop3A_172 {strides = array<i32>} : memref<80x128xf32, #tpu.memory_space<vmem>>, vector<16xf32>,
        %parallel_loop3A_176 = arith.index_cast %parallel_loop3A_157 : i32 to index
        %parallel_loop3A_177 = arith.constant 32 : index
        %parallel_loop3A_178 = tpu.vector_load %arg8[%parallel_loop3A_176, %parallel_loop3A_177] {strides = array<i32>} : memref<80x128xf32, #tpu.memory_space<vmem>>, vector<16xf32>,
        %parallel_loop3A_179 = arith.mulf %parallel_loop3A_178, %parallel_loop3A_161 : vector<16xf32>
        %parallel_loop3A_180 = arith.index_cast %parallel_loop3A_157 : i32 to index
        %parallel_loop3A_181 = arith.constant 32 : index
        %parallel_loop3A_182 = tpu.vector_load %arg10[%parallel_loop3A_180, %parallel_loop3A_181] {strides = array<i32>} : memref<80x128xf32, #tpu.memory_space<vmem>>, vector<16xf32>,
        tpu.vector_store %arg10[%parallel_loop3A_180, %parallel_loop3A_181], %parallel_loop3A_179 {strides = array<i32>} : memref<80x128xf32, #tpu.memory_space<vmem>>, vector<16xf32>,
        %parallel_loop3A_183 = arith.index_cast %parallel_loop3A_157 : i32 to index
        %parallel_loop3A_184 = arith.constant 48 : index
        %parallel_loop3A_185 = tpu.vector_load %arg8[%parallel_loop3A_183, %parallel_loop3A_184] {strides = array<i32>} : memref<80x128xf32, #tpu.memory_space<vmem>>, vector<16xf32>,
        %parallel_loop3A_186 = arith.mulf %parallel_loop3A_185, %parallel_loop3A_161 : vector<16xf32>
        %parallel_loop3A_187 = arith.index_cast %parallel_loop3A_157 : i32 to index
        %parallel_loop3A_188 = arith.constant 48 : index
        %parallel_loop3A_189 = tpu.vector_load %arg10[%parallel_loop3A_187, %parallel_loop3A_188] {strides = array<i32>} : memref<80x128xf32, #tpu.memory_space<vmem>>, vector<16xf32>,
        tpu.vector_store %arg10[%parallel_loop3A_187, %parallel_loop3A_188], %parallel_loop3A_186 {strides = array<i32>} : memref<80x128xf32, #tpu.memory_space<vmem>>, vector<16xf32>,
        %parallel_loop3A_190 = arith.index_cast %parallel_loop3A_157 : i32 to index
        %parallel_loop3A_191 = arith.constant 64 : index
        %parallel_loop3A_192 = tpu.vector_load %arg8[%parallel_loop3A_190, %parallel_loop3A_191] {strides = array<i32>} : memref<80x128xf32, #tpu.memory_space<vmem>>, vector<16xf32>,
        %parallel_loop3A_193 = arith.mulf %parallel_loop3A_192, %parallel_loop3A_161 : vector<16xf32>
        %parallel_loop3A_194 = arith.index_cast %parallel_loop3A_157 : i32 to index
        %parallel_loop3A_195 = arith.constant 64 : index
        %parallel_loop3A_196 = tpu.vector_load %arg10[%parallel_loop3A_194, %parallel_loop3A_195] {strides = array<i32>} : memref<80x128xf32, #tpu.memory_space<vmem>>, vector<16xf32>,
        tpu.vector_store %arg10[%parallel_loop3A_194, %parallel_loop3A_195], %parallel_loop3A_193 {strides = array<i32>} : memref<80x128xf32, #tpu.memory_space<vmem>>, vector<16xf32>,
        %parallel_loop3A_197 = arith.index_cast %parallel_loop3A_157 : i32 to index
        %parallel_loop3A_198 = arith.constant 80 : index
        %parallel_loop3A_199 = tpu.vector_load %arg8[%parallel_loop3A_197, %parallel_loop3A_198] {strides = array<i32>} : memref<80x128xf32, #tpu.memory_space<vmem>>, vector<16xf32>,
        %parallel_loop3A_200 = arith.mulf %parallel_loop3A_199, %parallel_loop3A_161 : vector<16xf32>
        %parallel_loop3A_201 = arith.index_cast %parallel_loop3A_157 : i32 to index
        %parallel_loop3A_202 = arith.constant 80 : index
        %parallel_loop3A_203 = tpu.vector_load %arg10[%parallel_loop3A_201, %parallel_loop3A_202] {strides = array<i32>} : memref<80x128xf32, #tpu.memory_space<vmem>>, vector<16xf32>,
        tpu.vector_store %arg10[%parallel_loop3A_201, %parallel_loop3A_202], %parallel_loop3A_200 {strides = array<i32>} : memref<80x128xf32, #tpu.memory_space<vmem>>, vector<16xf32>,
        %parallel_loop3A_204 = arith.index_cast %parallel_loop3A_157 : i32 to index
        %parallel_loop3A_205 = arith.constant 96 : index
        %parallel_loop3A_206 = tpu.vector_load %arg8[%parallel_loop3A_204, %parallel_loop3A_205] {strides = array<i32>} : memref<80x128xf32, #tpu.memory_space<vmem>>, vector<16xf32>,
        %parallel_loop3A_207 = arith.mulf %parallel_loop3A_206, %parallel_loop3A_161 : vector<16xf32>
        %parallel_loop3A_208 = arith.index_cast %parallel_loop3A_157 : i32 to index
        %parallel_loop3A_209 = arith.constant 96 : index
        %parallel_loop3A_210 = tpu.vector_load %arg10[%parallel_loop3A_208, %parallel_loop3A_209] {strides = array<i32>} : memref<80x128xf32, #tpu.memory_space<vmem>>, vector<16xf32>,
        tpu.vector_store %arg10[%parallel_loop3A_208, %parallel_loop3A_209], %parallel_loop3A_207 {strides = array<i32>} : memref<80x128xf32, #tpu.memory_space<vmem>>, vector<16xf32>,
        %parallel_loop3A_211 = arith.index_cast %parallel_loop3A_157 : i32 to index
        %parallel_loop3A_212 = arith.constant 112 : index
        %parallel_loop3A_213 = tpu.vector_load %arg8[%parallel_loop3A_211, %parallel_loop3A_212] {strides = array<i32>} : memref<80x128xf32, #tpu.memory_space<vmem>>, vector<16xf32>,
        %parallel_loop3A_214 = arith.mulf %parallel_loop3A_213, %parallel_loop3A_161 : vector<16xf32>
        %parallel_loop3A_215 = arith.index_cast %parallel_loop3A_157 : i32 to index
        %parallel_loop3A_216 = arith.constant 112 : index
        %parallel_loop3A_217 = tpu.vector_load %arg10[%parallel_loop3A_215, %parallel_loop3A_216] {strides = array<i32>} : memref<80x128xf32, #tpu.memory_space<vmem>>, vector<16xf32>,
        tpu.vector_store %arg10[%parallel_loop3A_215, %parallel_loop3A_216], %parallel_loop3A_214 {strides = array<i32>} : memref<80x128xf32, #tpu.memory_space<vmem>>, vector<16xf32>,
      } {sc.loop_unroll_factor = 4 : i64, sc.parallel_access}
      %mul3A_142 = arith.constant 3 : i32
      %mul3A_143 = arith.muli %mul3A_142, %add3A_53 : i32
      %add3A_144 = arith.constant 1 : i32
      %add3A_145 = arith.addi %mul3A_143, %add3A_144 : i32
      %dma_start3A_146 = arith.constant 0 : i32
      %dma_start3A_147 = tpu.memref_slice %arg6[%add3A_145, %dma_start3A_146] : memref<18x80xi32, #tpu.memory_space<vmem>> -> memref<1x80xi32, #tpu.memory_space<vmem>>
      %dma_start3A_148 = tpu.memref_squeeze %dma_start3A_147 : memref<1x80xi32, #tpu.memory_space<vmem>> -> memref<80xi32, #tpu.memory_space<vmem>>
      %dma_start3A_149 = arith.constant 0 : i32
      %dma_start3A_150 = arith.constant 0 : i32
      %dma_start3A_151 = tpu.memref_slice %arg11[%dma_start3A_149, %dma_start3A_150] : memref<10000x128xf32, #tpu.memory_space<vmem_shared>> -> memref<10000x128xf32, #tpu.memory_space<vmem_shared>>
      tpu.enqueue_indirect_dma source(%arg10 : memref<80x128xf32, #tpu.memory_space<vmem>>) target(%dma_start3A_151 : memref<10000x128xf32, #tpu.memory_space<vmem_shared>>) offsets(%dma_start3A_148 : memref<80xi32, #tpu.memory_space<vmem>>) semaphore(%arg15 : memref<!tpu.dma_semaphore, #tpu.memory_space<semaphore_mem>>) {add = true}
      %lt3A_152 = arith.constant 62 : i32
      %lt3A_153 = arith.cmpi slt, %scan3A_44, %lt3A_152 : i32
      %convert_element_type3A_154 = arith.extui %lt3A_153 : i1 to i32
      %cond3A_155 = arith.constant 0 : i32
      %cond3A_156 = arith.cmpi ne, %convert_element_type3A_154, %cond3A_155 : i32
      scf.if %cond3A_156 {
        %add3A_157 = arith.constant 2 : i32
        %add3A_158 = arith.addi %add3A_50, %add3A_157 : i32
        %add3A_159 = arith.constant 1 : i32
        %add3A_160 = arith.addi %rem3A_57, %add3A_159 : i32
        %mul3A_161 = arith.constant 3 : i32
        %mul3A_162 = arith.muli %mul3A_161, %add3A_160 : i32
        %dma_start3A_163 = arith.constant 0 : i32
        %dma_start3A_164 = tpu.memref_slice %arg6[%mul3A_162, %dma_start3A_163] : memref<18x80xi32, #tpu.memory_space<vmem>> -> memref<3x80xi32, #tpu.memory_space<vmem>>
        %dma_start3A_165 = arith.constant 0 : i32
        %dma_start3A_166 = arith.constant 0 : i32
        %dma_start3A_167 = tpu.memref_slice %arg2[%add3A, %add3A_158, %dma_start3A_165, %dma_start3A_166] : memref<32x126x3x80xi32, #tpu.memory_space<hbm>> -> memref<1x1x3x80xi32, #tpu.memory_space<hbm>>
        %dma_start3A_168 = tpu.memref_squeeze %dma_start3A_167 : memref<1x1x3x80xi32, #tpu.memory_space<hbm>> -> memref<3x80xi32, #tpu.memory_space<hbm>>
        %dma_start3A_169 = arith.constant 0 : i32
        %dma_start3A_170 = tpu.memref_slice %arg6[%mul3A_162, %dma_start3A_169] : memref<18x80xi32, #tpu.memory_space<vmem>> -> memref<3x80xi32, #tpu.memory_space<vmem>>
        %dma_start3A_171 = arith.constant 0 : i32
        %dma_start3A_172 = arith.constant 0 : i32
        %dma_start3A_173 = tpu.memref_slice %arg2[%add3A, %add3A_158, %dma_start3A_171, %dma_start3A_172] : memref<32x126x3x80xi32, #tpu.memory_space<hbm>> -> memref<1x1x3x80xi32, #tpu.memory_space<hbm>>
        %dma_start3A_174 = tpu.memref_squeeze %dma_start3A_173 : memref<1x1x3x80xi32, #tpu.memory_space<hbm>> -> memref<3x80xi32, #tpu.memory_space<hbm>>
        tpu.enqueue_dma source(%dma_start3A_174 : memref<3x80xi32, #tpu.memory_space<hbm>>) target(%dma_start3A_170 : memref<3x80xi32, #tpu.memory_space<vmem>>) target_semaphore(%arg17 : memref<!tpu.dma_semaphore, #tpu.memory_space<semaphore_mem>>)
      } else {
      }
    }
    %scan3A_19 = arith.constant 63 : i32
    %dma_wait3A = arith.constant 13 : i32
    %dma_wait3A_20 = arith.constant 0 : i32
    %dma_wait3A_21 = tpu.memref_slice %arg6[%dma_wait3A, %dma_wait3A_20] : memref<18x80xi32, #tpu.memory_space<vmem>> -> memref<1x80xi32, #tpu.memory_space<vmem>>
    %dma_wait3A_22 = tpu.memref_squeeze %dma_wait3A_21 : memref<1x80xi32, #tpu.memory_space<vmem>> -> memref<80xi32, #tpu.memory_space<vmem>>
    %dma_wait3A_23 = arith.constant 0 : i32
    %dma_wait3A_24 = arith.constant 0 : i32
    %dma_wait3A_25 = tpu.memref_slice %arg11[%dma_wait3A_23, %dma_wait3A_24] : memref<10000x128xf32, #tpu.memory_space<vmem_shared>> -> memref<10000x128xf32, #tpu.memory_space<vmem_shared>>
    tpu.wait_indirect_dma semaphore(%arg14 : memref<!tpu.dma_semaphore, #tpu.memory_space<semaphore_mem>>) src(%arg9 : memref<80x128xf32, #tpu.memory_space<vmem>>) dst(%dma_wait3A_25 : memref<10000x128xf32, #tpu.memory_space<vmem_shared>>)
    %dma_wait3A_26 = arith.constant 16 : i32
    %dma_wait3A_27 = arith.constant 0 : i32
    %dma_wait3A_28 = tpu.memref_slice %arg6[%dma_wait3A_26, %dma_wait3A_27] : memref<18x80xi32, #tpu.memory_space<vmem>> -> memref<1x80xi32, #tpu.memory_space<vmem>>
    %dma_wait3A_29 = tpu.memref_squeeze %dma_wait3A_28 : memref<1x80xi32, #tpu.memory_space<vmem>> -> memref<80xi32, #tpu.memory_space<vmem>>
    %dma_wait3A_30 = arith.constant 0 : i32
    %dma_wait3A_31 = arith.constant 0 : i32
    %dma_wait3A_32 = tpu.memref_slice %arg11[%dma_wait3A_30, %dma_wait3A_31] : memref<10000x128xf32, #tpu.memory_space<vmem_shared>> -> memref<10000x128xf32, #tpu.memory_space<vmem_shared>>
    tpu.wait_indirect_dma semaphore(%arg15 : memref<!tpu.dma_semaphore, #tpu.memory_space<semaphore_mem>>) src(%arg10 : memref<80x128xf32, #tpu.memory_space<vmem>>) dst(%dma_wait3A_32 : memref<10000x128xf32, #tpu.memory_space<vmem_shared>>)
    %barrier3A_33 = arith.constant 0 : index
    tpu.barrier barrier_id(%barrier3A_33)
    %lt3A_34 = arith.constant 15 : i32
    %lt3A_35 = arith.cmpi slt, %arg1, %lt3A_34 : i32
    %convert_element_type3A_36 = arith.extui %lt3A_35 : i1 to i32
    %cond3A_37 = arith.constant 0 : i32
    %cond3A_38 = arith.cmpi ne, %convert_element_type3A_36, %cond3A_37 : i32
    scf.if %cond3A_38 {
      %mul3A_44 = arith.constant 624 : i32
      %mul3A_45 = arith.muli %arg1, %mul3A_44 : i32
      %mul3A_46 = arith.constant 624 : i32
      %mul3A_47 = arith.muli %arg1, %mul3A_46 : i32
      "tpu.region"() ({
        %run_scoped3A_48 = tpu.sem_alloc : memref<!tpu.dma_semaphore, #tpu.memory_space<semaphore_mem>>
        %dma_start3A_49 = arith.constant 0 : i32
        %dma_start3A_50 = tpu.memref_slice %arg5[%arg0, %mul3A_47, %dma_start3A_49] : memref<2x10000x128xf32, #tpu.memory_space<hbm>> -> memref<1x624x128xf32, #tpu.memory_space<hbm>>
        %dma_start3A_51 = tpu.memref_squeeze %dma_start3A_50 : memref<1x624x128xf32, #tpu.memory_space<hbm>> -> memref<624x128xf32, #tpu.memory_space<hbm>>
        %dma_start3A_52 = arith.constant 0 : i32
        %dma_start3A_53 = tpu.memref_slice %arg11[%mul3A_45, %dma_start3A_52] : memref<10000x128xf32, #tpu.memory_space<vmem_shared>> -> memref<624x128xf32, #tpu.memory_space<vmem_shared>>
        tpu.enqueue_dma source(%dma_start3A_53 : memref<624x128xf32, #tpu.memory_space<vmem_shared>>) target(%dma_start3A_51 : memref<624x128xf32, #tpu.memory_space<hbm>>) target_semaphore(%run_scoped3A_48 : memref<!tpu.dma_semaphore, #tpu.memory_space<semaphore_mem>>)
        %dma_wait3A_54 = arith.constant 0 : i32
        %dma_wait3A_55 = tpu.memref_slice %arg5[%arg0, %mul3A_47, %dma_wait3A_54] : memref<2x10000x128xf32, #tpu.memory_space<hbm>> -> memref<1x624x128xf32, #tpu.memory_space<hbm>>
        %dma_wait3A_56 = tpu.memref_squeeze %dma_wait3A_55 : memref<1x624x128xf32, #tpu.memory_space<hbm>> -> memref<624x128xf32, #tpu.memory_space<hbm>>
        %dma_wait3A_57 = arith.constant 0 : i32
        %dma_wait3A_58 = tpu.memref_slice %arg11[%mul3A_45, %dma_wait3A_57] : memref<10000x128xf32, #tpu.memory_space<vmem_shared>> -> memref<624x128xf32, #tpu.memory_space<vmem_shared>>
        tpu.wait_dma2 semaphore(%run_scoped3A_48 : memref<!tpu.dma_semaphore, #tpu.memory_space<semaphore_mem>>) src(%dma_wait3A_58 : memref<624x128xf32, #tpu.memory_space<vmem_shared>>) dst(%dma_wait3A_56 : memref<624x128xf32, #tpu.memory_space<hbm>>)
        tpu.yield
      }) : () -> ()
    } else {
    }
    %eq3A_39 = arith.constant 15 : i32
    %eq3A_40 = arith.cmpi eq, %arg1, %eq3A_39 : i32
    %convert_element_type3A_41 = arith.extui %eq3A_40 : i1 to i32
    %cond3A_42 = arith.constant 0 : i32
    %cond3A_43 = arith.cmpi ne, %convert_element_type3A_41, %cond3A_42 : i32
    scf.if %cond3A_43 {
      "tpu.region"() ({
        %run_scoped3A_44 = tpu.sem_alloc : memref<!tpu.dma_semaphore, #tpu.memory_space<semaphore_mem>>
        %dma_start3A_45 = arith.constant 9360 : i32
        %dma_start3A_46 = arith.constant 0 : i32
        %dma_start3A_47 = tpu.memref_slice %arg5[%arg0, %dma_start3A_45, %dma_start3A_46] : memref<2x10000x128xf32, #tpu.memory_space<hbm>> -> memref<1x640x128xf32, #tpu.memory_space<hbm>>
        %dma_start3A_48 = tpu.memref_squeeze %dma_start3A_47 : memref<1x640x128xf32, #tpu.memory_space<hbm>> -> memref<640x128xf32, #tpu.memory_space<hbm>>
        %dma_start3A_49 = arith.constant 9360 : i32
        %dma_start3A_50 = arith.constant 0 : i32
        %dma_start3A_51 = tpu.memref_slice %arg11[%dma_start3A_49, %dma_start3A_50] : memref<10000x128xf32, #tpu.memory_space<vmem_shared>> -> memref<640x128xf32, #tpu.memory_space<vmem_shared>>
        tpu.enqueue_dma source(%dma_start3A_51 : memref<640x128xf32, #tpu.memory_space<vmem_shared>>) target(%dma_start3A_48 : memref<640x128xf32, #tpu.memory_space<hbm>>) target_semaphore(%run_scoped3A_44 : memref<!tpu.dma_semaphore, #tpu.memory_space<semaphore_mem>>)
        %dma_wait3A_52 = arith.constant 9360 : i32
        %dma_wait3A_53 = arith.constant 0 : i32
        %dma_wait3A_54 = tpu.memref_slice %arg5[%arg0, %dma_wait3A_52, %dma_wait3A_53] : memref<2x10000x128xf32, #tpu.memory_space<hbm>> -> memref<1x640x128xf32, #tpu.memory_space<hbm>>
        %dma_wait3A_55 = tpu.memref_squeeze %dma_wait3A_54 : memref<1x640x128xf32, #tpu.memory_space<hbm>> -> memref<640x128xf32, #tpu.memory_space<hbm>>
        %dma_wait3A_56 = arith.constant 9360 : i32
        %dma_wait3A_57 = arith.constant 0 : i32
        %dma_wait3A_58 = tpu.memref_slice %arg11[%dma_wait3A_56, %dma_wait3A_57] : memref<10000x128xf32, #tpu.memory_space<vmem_shared>> -> memref<640x128xf32, #tpu.memory_space<vmem_shared>>
        tpu.wait_dma2 semaphore(%run_scoped3A_44 : memref<!tpu.dma_semaphore, #tpu.memory_space<semaphore_mem>>) src(%dma_wait3A_58 : memref<640x128xf32, #tpu.memory_space<vmem_shared>>) dst(%dma_wait3A_55 : memref<640x128xf32, #tpu.memory_space<hbm>>)
        tpu.yield
      }) : () -> ()
    } else {
    }
    return
  }
}

#map = affine_map<(d0, d1) -> (0, 0, 0)>
#map1 = affine_map<(d0, d1) -> (0)>
#map2 = affine_map<(d0, d1) -> (0, 0)>
module attributes {stable_mosaic.version = 14 : i64} {
  func.func @_deg_kernel(%arg0: i32, %arg1: i32, %arg2: memref<32x126x80xi32, #tpu.memory_space<hbm>>, %arg3: memref<32x126x80xf32, #tpu.memory_space<hbm>>, %arg4: memref<10000xf32, #tpu.memory_space<hbm>>, %arg5: memref<2x10000xf32, #tpu.memory_space<hbm>>, %arg6: memref<126x80xi32, #tpu.memory_space<vmem>>, %arg7: memref<126x80xf32, #tpu.memory_space<vmem>>, %arg8: memref<10000xf32, #tpu.memory_space<vmem_shared>>, %arg9: memref<!tpu.dma_semaphore, #tpu.memory_space<semaphore_mem>>) attributes {dimension_semantics = [#tpu.dimension_semantics<core_parallel>, #tpu.dimension_semantics<subcore_parallel>], iteration_bounds = array<i64: 2, 16>, scalar_prefetch = 0 : i64, scratch_operands = 4 : i64, tpu.core_type = #tpu.core_type<sc_vector_subcore>, window_params = [{transform_indices = #map}, {transform_indices = #map}, {transform_indices = #map1}, {transform_indices = #map2}]} {
    %mul3A = arith.constant 2 : i32
    %mul3A_0 = arith.muli %arg1, %mul3A : i32
    %add3A = arith.addi %mul3A_0, %arg0 : i32
    %eq3A = arith.constant 0 : i32
    %eq3A_1 = arith.cmpi eq, %arg1, %eq3A : i32
    %convert_element_type3A = arith.extui %eq3A_1 : i1 to i32
    %cond3A = arith.constant 0 : i32
    %cond3A_2 = arith.cmpi ne, %convert_element_type3A, %cond3A : i32
    scf.if %cond3A_2 {
      "tpu.region"() ({
        %run_scoped3A = tpu.sem_alloc : memref<!tpu.dma_semaphore, #tpu.memory_space<semaphore_mem>>
        tpu.enqueue_dma source(%arg4 : memref<10000xf32, #tpu.memory_space<hbm>>) target(%arg8 : memref<10000xf32, #tpu.memory_space<vmem_shared>>) target_semaphore(%run_scoped3A : memref<!tpu.dma_semaphore, #tpu.memory_space<semaphore_mem>>)
        tpu.wait_dma2 semaphore(%run_scoped3A : memref<!tpu.dma_semaphore, #tpu.memory_space<semaphore_mem>>) src(%arg4 : memref<10000xf32, #tpu.memory_space<hbm>>) dst(%arg8 : memref<10000xf32, #tpu.memory_space<vmem_shared>>)
        tpu.yield
      }) : () -> ()
    } else {
    }
    "tpu.region"() ({
      %run_scoped3A = tpu.sem_alloc : memref<!tpu.dma_semaphore, #tpu.memory_space<semaphore_mem>>
      %dma_start3A = arith.constant 0 : i32
      %dma_start3A_20 = arith.constant 0 : i32
      %dma_start3A_21 = tpu.memref_slice %arg2[%add3A, %dma_start3A, %dma_start3A_20] : memref<32x126x80xi32, #tpu.memory_space<hbm>> -> memref<1x126x80xi32, #tpu.memory_space<hbm>>
      %dma_start3A_22 = tpu.memref_squeeze %dma_start3A_21 : memref<1x126x80xi32, #tpu.memory_space<hbm>> -> memref<126x80xi32, #tpu.memory_space<hbm>>
      %dma_start3A_23 = arith.constant 0 : i32
      %dma_start3A_24 = arith.constant 0 : i32
      %dma_start3A_25 = tpu.memref_slice %arg2[%add3A, %dma_start3A_23, %dma_start3A_24] : memref<32x126x80xi32, #tpu.memory_space<hbm>> -> memref<1x126x80xi32, #tpu.memory_space<hbm>>
      %dma_start3A_26 = tpu.memref_squeeze %dma_start3A_25 : memref<1x126x80xi32, #tpu.memory_space<hbm>> -> memref<126x80xi32, #tpu.memory_space<hbm>>
      tpu.enqueue_dma source(%dma_start3A_26 : memref<126x80xi32, #tpu.memory_space<hbm>>) target(%arg6 : memref<126x80xi32, #tpu.memory_space<vmem>>) target_semaphore(%run_scoped3A : memref<!tpu.dma_semaphore, #tpu.memory_space<semaphore_mem>>)
      %dma_wait3A = arith.constant 0 : i32
      %dma_wait3A_27 = arith.constant 0 : i32
      %dma_wait3A_28 = tpu.memref_slice %arg2[%add3A, %dma_wait3A, %dma_wait3A_27] : memref<32x126x80xi32, #tpu.memory_space<hbm>> -> memref<1x126x80xi32, #tpu.memory_space<hbm>>
      %dma_wait3A_29 = tpu.memref_squeeze %dma_wait3A_28 : memref<1x126x80xi32, #tpu.memory_space<hbm>> -> memref<126x80xi32, #tpu.memory_space<hbm>>
      %dma_wait3A_30 = arith.constant 0 : i32
      %dma_wait3A_31 = arith.constant 0 : i32
      %dma_wait3A_32 = tpu.memref_slice %arg2[%add3A, %dma_wait3A_30, %dma_wait3A_31] : memref<32x126x80xi32, #tpu.memory_space<hbm>> -> memref<1x126x80xi32, #tpu.memory_space<hbm>>
      %dma_wait3A_33 = tpu.memref_squeeze %dma_wait3A_32 : memref<1x126x80xi32, #tpu.memory_space<hbm>> -> memref<126x80xi32, #tpu.memory_space<hbm>>
      tpu.wait_dma2 semaphore(%run_scoped3A : memref<!tpu.dma_semaphore, #tpu.memory_space<semaphore_mem>>) src(%dma_wait3A_33 : memref<126x80xi32, #tpu.memory_space<hbm>>) dst(%arg6 : memref<126x80xi32, #tpu.memory_space<vmem>>)
      tpu.yield
    }) : () -> ()
    "tpu.region"() ({
      %run_scoped3A = tpu.sem_alloc : memref<!tpu.dma_semaphore, #tpu.memory_space<semaphore_mem>>
      %dma_start3A = arith.constant 0 : i32
      %dma_start3A_20 = arith.constant 0 : i32
      %dma_start3A_21 = tpu.memref_slice %arg3[%add3A, %dma_start3A, %dma_start3A_20] : memref<32x126x80xf32, #tpu.memory_space<hbm>> -> memref<1x126x80xf32, #tpu.memory_space<hbm>>
      %dma_start3A_22 = tpu.memref_squeeze %dma_start3A_21 : memref<1x126x80xf32, #tpu.memory_space<hbm>> -> memref<126x80xf32, #tpu.memory_space<hbm>>
      %dma_start3A_23 = arith.constant 0 : i32
      %dma_start3A_24 = arith.constant 0 : i32
      %dma_start3A_25 = tpu.memref_slice %arg3[%add3A, %dma_start3A_23, %dma_start3A_24] : memref<32x126x80xf32, #tpu.memory_space<hbm>> -> memref<1x126x80xf32, #tpu.memory_space<hbm>>
      %dma_start3A_26 = tpu.memref_squeeze %dma_start3A_25 : memref<1x126x80xf32, #tpu.memory_space<hbm>> -> memref<126x80xf32, #tpu.memory_space<hbm>>
      tpu.enqueue_dma source(%dma_start3A_26 : memref<126x80xf32, #tpu.memory_space<hbm>>) target(%arg7 : memref<126x80xf32, #tpu.memory_space<vmem>>) target_semaphore(%run_scoped3A : memref<!tpu.dma_semaphore, #tpu.memory_space<semaphore_mem>>)
      %dma_wait3A = arith.constant 0 : i32
      %dma_wait3A_27 = arith.constant 0 : i32
      %dma_wait3A_28 = tpu.memref_slice %arg3[%add3A, %dma_wait3A, %dma_wait3A_27] : memref<32x126x80xf32, #tpu.memory_space<hbm>> -> memref<1x126x80xf32, #tpu.memory_space<hbm>>
      %dma_wait3A_29 = tpu.memref_squeeze %dma_wait3A_28 : memref<1x126x80xf32, #tpu.memory_space<hbm>> -> memref<126x80xf32, #tpu.memory_space<hbm>>
      %dma_wait3A_30 = arith.constant 0 : i32
      %dma_wait3A_31 = arith.constant 0 : i32
      %dma_wait3A_32 = tpu.memref_slice %arg3[%add3A, %dma_wait3A_30, %dma_wait3A_31] : memref<32x126x80xf32, #tpu.memory_space<hbm>> -> memref<1x126x80xf32, #tpu.memory_space<hbm>>
      %dma_wait3A_33 = tpu.memref_squeeze %dma_wait3A_32 : memref<1x126x80xf32, #tpu.memory_space<hbm>> -> memref<126x80xf32, #tpu.memory_space<hbm>>
      tpu.wait_dma2 semaphore(%run_scoped3A : memref<!tpu.dma_semaphore, #tpu.memory_space<semaphore_mem>>) src(%dma_wait3A_33 : memref<126x80xf32, #tpu.memory_space<hbm>>) dst(%arg7 : memref<126x80xf32, #tpu.memory_space<vmem>>)
      tpu.yield
    }) : () -> ()
    %barrier3A = arith.constant 0 : index
    tpu.barrier barrier_id(%barrier3A)
    %scan3A = arith.constant 0 : i32
    %scan3A_3 = arith.constant 0 : i32
    %scan3A_4 = arith.constant 126 : i32
    %scan3A_5 = arith.addi %scan3A_3, %scan3A_4 : i32
    %scan3A_6 = arith.constant 1 : i32
    scf.for %scan3A_20 = %scan3A_3 to %scan3A_5 step %scan3A_6  : i32 {
      %dma_start3A = arith.constant 0 : i32
      %dma_start3A_21 = tpu.memref_slice %arg7[%scan3A_20, %dma_start3A] : memref<126x80xf32, #tpu.memory_space<vmem>> -> memref<1x80xf32, #tpu.memory_space<vmem>>
      %dma_start3A_22 = tpu.memref_squeeze %dma_start3A_21 : memref<1x80xf32, #tpu.memory_space<vmem>> -> memref<80xf32, #tpu.memory_space<vmem>>
      %dma_start3A_23 = arith.constant 0 : i32
      %dma_start3A_24 = tpu.memref_slice %arg6[%scan3A_20, %dma_start3A_23] : memref<126x80xi32, #tpu.memory_space<vmem>> -> memref<1x80xi32, #tpu.memory_space<vmem>>
      %dma_start3A_25 = tpu.memref_squeeze %dma_start3A_24 : memref<1x80xi32, #tpu.memory_space<vmem>> -> memref<80xi32, #tpu.memory_space<vmem>>
      %dma_start3A_26 = arith.constant 0 : i32
      %dma_start3A_27 = tpu.memref_slice %arg8[%dma_start3A_26] : memref<10000xf32, #tpu.memory_space<vmem_shared>> -> memref<10000xf32, #tpu.memory_space<vmem_shared>>
      tpu.enqueue_indirect_dma source(%dma_start3A_22 : memref<80xf32, #tpu.memory_space<vmem>>) target(%dma_start3A_27 : memref<10000xf32, #tpu.memory_space<vmem_shared>>) offsets(%dma_start3A_25 : memref<80xi32, #tpu.memory_space<vmem>>) semaphore(%arg9 : memref<!tpu.dma_semaphore, #tpu.memory_space<semaphore_mem>>) {add = true}
      %ge3A = arith.constant 8 : i32
      %ge3A_28 = arith.cmpi sge, %scan3A_20, %ge3A : i32
      %convert_element_type3A_29 = arith.extui %ge3A_28 : i1 to i32
      %cond3A_30 = arith.constant 0 : i32
      %cond3A_31 = arith.cmpi ne, %convert_element_type3A_29, %cond3A_30 : i32
      scf.if %cond3A_31 {
        %dma_wait3A = arith.constant 0 : i32
        %dma_wait3A_32 = arith.constant 0 : i32
        %dma_wait3A_33 = arith.constant 0 : i32
        %dma_wait3A_34 = tpu.memref_slice %arg7[%dma_wait3A, %dma_wait3A_33] : memref<126x80xf32, #tpu.memory_space<vmem>> -> memref<1x80xf32, #tpu.memory_space<vmem>>
        %dma_wait3A_35 = tpu.memref_squeeze %dma_wait3A_34 : memref<1x80xf32, #tpu.memory_space<vmem>> -> memref<80xf32, #tpu.memory_space<vmem>>
        %dma_wait3A_36 = arith.constant 0 : i32
        %dma_wait3A_37 = tpu.memref_slice %arg6[%dma_wait3A_32, %dma_wait3A_36] : memref<126x80xi32, #tpu.memory_space<vmem>> -> memref<1x80xi32, #tpu.memory_space<vmem>>
        %dma_wait3A_38 = tpu.memref_squeeze %dma_wait3A_37 : memref<1x80xi32, #tpu.memory_space<vmem>> -> memref<80xi32, #tpu.memory_space<vmem>>
        %dma_wait3A_39 = arith.constant 0 : i32
        %dma_wait3A_40 = tpu.memref_slice %arg8[%dma_wait3A_39] : memref<10000xf32, #tpu.memory_space<vmem_shared>> -> memref<10000xf32, #tpu.memory_space<vmem_shared>>
        tpu.wait_indirect_dma semaphore(%arg9 : memref<!tpu.dma_semaphore, #tpu.memory_space<semaphore_mem>>) src(%dma_wait3A_35 : memref<80xf32, #tpu.memory_space<vmem>>) dst(%dma_wait3A_40 : memref<10000xf32, #tpu.memory_space<vmem_shared>>)
      } else {
      }
    }
    %scan3A_7 = arith.constant 126 : i32
    %scan3A_8 = arith.constant 0 : i32
    %scan3A_9 = arith.constant 0 : i32
    %scan3A_10 = arith.constant 8 : i32
    %scan3A_11 = arith.addi %scan3A_9, %scan3A_10 : i32
    %scan3A_12 = arith.constant 1 : i32
    scf.for %scan3A_20 = %scan3A_9 to %scan3A_11 step %scan3A_12  : i32 {
      %dma_wait3A = arith.constant 0 : i32
      %dma_wait3A_21 = arith.constant 0 : i32
      %dma_wait3A_22 = arith.constant 0 : i32
      %dma_wait3A_23 = tpu.memref_slice %arg7[%dma_wait3A, %dma_wait3A_22] : memref<126x80xf32, #tpu.memory_space<vmem>> -> memref<1x80xf32, #tpu.memory_space<vmem>>
      %dma_wait3A_24 = tpu.memref_squeeze %dma_wait3A_23 : memref<1x80xf32, #tpu.memory_space<vmem>> -> memref<80xf32, #tpu.memory_space<vmem>>
      %dma_wait3A_25 = arith.constant 0 : i32
      %dma_wait3A_26 = tpu.memref_slice %arg6[%dma_wait3A_21, %dma_wait3A_25] : memref<126x80xi32, #tpu.memory_space<vmem>> -> memref<1x80xi32, #tpu.memory_space<vmem>>
      %dma_wait3A_27 = tpu.memref_squeeze %dma_wait3A_26 : memref<1x80xi32, #tpu.memory_space<vmem>> -> memref<80xi32, #tpu.memory_space<vmem>>
      %dma_wait3A_28 = arith.constant 0 : i32
      %dma_wait3A_29 = tpu.memref_slice %arg8[%dma_wait3A_28] : memref<10000xf32, #tpu.memory_space<vmem_shared>> -> memref<10000xf32, #tpu.memory_space<vmem_shared>>
      tpu.wait_indirect_dma semaphore(%arg9 : memref<!tpu.dma_semaphore, #tpu.memory_space<semaphore_mem>>) src(%dma_wait3A_24 : memref<80xf32, #tpu.memory_space<vmem>>) dst(%dma_wait3A_29 : memref<10000xf32, #tpu.memory_space<vmem_shared>>)
    }
    %scan3A_13 = arith.constant 8 : i32
    %barrier3A_14 = arith.constant 0 : index
    tpu.barrier barrier_id(%barrier3A_14)
    %eq3A_15 = arith.constant 0 : i32
    %eq3A_16 = arith.cmpi eq, %arg1, %eq3A_15 : i32
    %convert_element_type3A_17 = arith.extui %eq3A_16 : i1 to i32
    %cond3A_18 = arith.constant 0 : i32
    %cond3A_19 = arith.cmpi ne, %convert_element_type3A_17, %cond3A_18 : i32
    scf.if %cond3A_19 {
      "tpu.region"() ({
        %run_scoped3A = tpu.sem_alloc : memref<!tpu.dma_semaphore, #tpu.memory_space<semaphore_mem>>
        %dma_start3A = arith.constant 0 : i32
        %dma_start3A_20 = tpu.memref_slice %arg5[%arg0, %dma_start3A] : memref<2x10000xf32, #tpu.memory_space<hbm>> -> memref<1x10000xf32, #tpu.memory_space<hbm>>
        %dma_start3A_21 = tpu.memref_squeeze %dma_start3A_20 : memref<1x10000xf32, #tpu.memory_space<hbm>> -> memref<10000xf32, #tpu.memory_space<hbm>>
        tpu.enqueue_dma source(%arg8 : memref<10000xf32, #tpu.memory_space<vmem_shared>>) target(%dma_start3A_21 : memref<10000xf32, #tpu.memory_space<hbm>>) target_semaphore(%run_scoped3A : memref<!tpu.dma_semaphore, #tpu.memory_space<semaphore_mem>>)
        %dma_wait3A = arith.constant 0 : i32
        %dma_wait3A_22 = tpu.memref_slice %arg5[%arg0, %dma_wait3A] : memref<2x10000xf32, #tpu.memory_space<hbm>> -> memref<1x10000xf32, #tpu.memory_space<hbm>>
        %dma_wait3A_23 = tpu.memref_squeeze %dma_wait3A_22 : memref<1x10000xf32, #tpu.memory_space<hbm>> -> memref<10000xf32, #tpu.memory_space<hbm>>
        tpu.wait_dma2 semaphore(%run_scoped3A : memref<!tpu.dma_semaphore, #tpu.memory_space<semaphore_mem>>) src(%arg8 : memref<10000xf32, #tpu.memory_space<vmem_shared>>) dst(%dma_wait3A_23 : memref<10000xf32, #tpu.memory_space<hbm>>)
        tpu.yield
      }) : () -> ()
    } else {
    }
    return
  }
}

module attributes {stable_mosaic.version = 14 : i64} {
  func.func @_mid_body(%arg0: i32, %arg1: memref<1000x128xf32, #tpu.memory_space<vmem>>, %arg2: memref<128x128xf32, #tpu.memory_space<vmem>>, %arg3: memref<1000x2xf32, #tpu.memory_space<vmem>>, %arg4: memref<1000x128xf32, #tpu.memory_space<vmem>>, %arg5: memref<1000x1xf32, #tpu.memory_space<vmem>>) attributes {dimension_semantics = [#tpu.dimension_semantics<arbitrary>], iteration_bounds = array<i64: 10>, scalar_prefetch = 0 : i64, scratch_operands = 0 : i64, tpu.core_type = #tpu.core_type<tc>, window_params = [{transform_indices = @transform_0, window_bounds = array<i64: 1000, 128>}, {pipeline_mode = #tpu.pipeline_mode<synchronous>, transform_indices = @transform_1, window_bounds = array<i64: 128, 128>}, {transform_indices = @transform_2, window_bounds = array<i64: 1000, 2>}, {transform_indices = @transform_3, window_bounds = array<i64: 1000, 128>}, {transform_indices = @transform_4, window_bounds = array<i64: 1000, 1>}]} {
    %get3A = arith.constant 0 : index
    %get3A_0 = arith.constant 0 : index
    %get3A_1 = vector.load %arg3[%get3A, %get3A_0] : memref<1000x2xf32, #tpu.memory_space<vmem>>, vector<1000x2xf32>
    %reduce_sum3A = arith.constant dense<0.000000e+00> : vector<1000xf32>
    %reduce_sum3A_2 = vector.multi_reduction <add>, %get3A_1, %reduce_sum3A [1] : vector<1000x2xf32> to vector<1000xf32>
    %add3A = arith.constant 1.000000e+00 : f32
    %add3A_3 = vector.broadcast %add3A : f32 to vector<1000xf32>
    %add3A_4 = arith.addf %reduce_sum3A_2, %add3A_3 : vector<1000xf32>
    %rsqrt3A = math.rsqrt %add3A_4 : vector<1000xf32>
    %get3A_5 = arith.constant 0 : index
    %get3A_6 = arith.constant 0 : index
    %get3A_7 = vector.load %arg1[%get3A_5, %get3A_6] : memref<1000x128xf32, #tpu.memory_space<vmem>>, vector<1000x128xf32>
    %get3A_8 = arith.constant 0 : index
    %get3A_9 = arith.constant 0 : index
    %get3A_10 = vector.load %arg2[%get3A_8, %get3A_9] : memref<128x128xf32, #tpu.memory_space<vmem>>, vector<128x128xf32>
    %dot_general3A = arith.constant dense<0.000000e+00> : vector<1000x128xf32>
    %dot_general3A_11 = tpu.matmul %get3A_7, %get3A_10, %dot_general3A {dimension_numbers = #tpu.dot_dimension_numbers<[1], [0], [0], [1], [0, 0, 1, 1], [], []>, transpose_lhs_hint = false} : vector<1000x128xf32>, vector<128x128xf32>, vector<1000x128xf32> -> vector<1000x128xf32>
    %broadcast_in_dim3A = vector.shape_cast %rsqrt3A : vector<1000xf32> to vector<1000x1xf32>
    %mul3A = vector.broadcast %broadcast_in_dim3A : vector<1000x1xf32> to vector<1000x128xf32>
    %mul3A_12 = arith.mulf %dot_general3A_11, %mul3A : vector<1000x128xf32>
    %swap3A = arith.constant 0 : index
    %swap3A_13 = arith.constant 0 : index
    %swap3A_14 = vector.load %arg4[%swap3A, %swap3A_13] : memref<1000x128xf32, #tpu.memory_space<vmem>>, vector<1000x128xf32>
    tpu.vector_store %arg4[%swap3A, %swap3A_13], %mul3A_12 {strides = array<i32>} : memref<1000x128xf32, #tpu.memory_space<vmem>>, vector<1000x128xf32>,
    %broadcast_in_dim3A_15 = vector.shape_cast %rsqrt3A : vector<1000xf32> to vector<1000x1xf32>
    %swap3A_16 = arith.constant 0 : index
    %swap3A_17 = arith.constant 0 : index
    %swap3A_18 = vector.load %arg5[%swap3A_16, %swap3A_17] : memref<1000x1xf32, #tpu.memory_space<vmem>>, vector<1000x1xf32>
    tpu.vector_store %arg5[%swap3A_16, %swap3A_17], %broadcast_in_dim3A_15 {strides = array<i32>} : memref<1000x1xf32, #tpu.memory_space<vmem>>, vector<1000x1xf32>,
    return
  }
  func.func @transform_0(%arg0: i32) -> (i32, i32) {
    %c0_i32 = arith.constant 0 : i32
    %c0_i32_0 = arith.constant 0 : i32
    return %arg0, %c0_i32 : i32, i32
  }
  func.func @transform_1(%arg0: i32) -> (i32, i32) {
    %c0_i32 = arith.constant 0 : i32
    %c0_i32_0 = arith.constant 0 : i32
    %c0_i32_1 = arith.constant 0 : i32
    return %c0_i32, %c0_i32_0 : i32, i32
  }
  func.func @transform_2(%arg0: i32) -> (i32, i32) {
    %c0_i32 = arith.constant 0 : i32
    %c0_i32_0 = arith.constant 0 : i32
    return %arg0, %c0_i32 : i32, i32
  }
  func.func @transform_3(%arg0: i32) -> (i32, i32) {
    %c0_i32 = arith.constant 0 : i32
    %c0_i32_0 = arith.constant 0 : i32
    return %arg0, %c0_i32 : i32, i32
  }
  func.func @transform_4(%arg0: i32) -> (i32, i32) {
    %c0_i32 = arith.constant 0 : i32
    %c0_i32_0 = arith.constant 0 : i32
    return %arg0, %c0_i32 : i32, i32
  }
}

module attributes {stable_mosaic.version = 14 : i64} {
  func.func @_final_body(%arg0: i32, %arg1: memref<2x1000x128xf32, #tpu.memory_space<vmem>>, %arg2: memref<1000x128xf32, #tpu.memory_space<vmem>>, %arg3: memref<1000x1xf32, #tpu.memory_space<vmem>>, %arg4: memref<128xf32, #tpu.memory_space<vmem>>, %arg5: memref<1000x128xf32, #tpu.memory_space<vmem>>) attributes {dimension_semantics = [#tpu.dimension_semantics<arbitrary>], iteration_bounds = array<i64: 10>, scalar_prefetch = 0 : i64, scratch_operands = 0 : i64, tpu.core_type = #tpu.core_type<tc>, window_params = [{transform_indices = @transform_0, window_bounds = array<i64: 2, 1000, 128>}, {transform_indices = @transform_1, window_bounds = array<i64: 1000, 128>}, {transform_indices = @transform_2, window_bounds = array<i64: 1000, 1>}, {pipeline_mode = #tpu.pipeline_mode<synchronous>, transform_indices = @transform_3, window_bounds = array<i64: 128>}, {transform_indices = @transform_4, window_bounds = array<i64: 1000, 128>}]} {
    %get3A = arith.constant 0 : index
    %get3A_0 = arith.constant 0 : index
    %get3A_1 = arith.constant 0 : index
    %get3A_2 = vector.load %arg1[%get3A, %get3A_0, %get3A_1] : memref<2x1000x128xf32, #tpu.memory_space<vmem>>, vector<1x1000x128xf32>
    %get3A_3 = vector.shape_cast %get3A_2 : vector<1x1000x128xf32> to vector<1000x128xf32>
    %get3A_4 = arith.constant 1 : index
    %get3A_5 = arith.constant 0 : index
    %get3A_6 = arith.constant 0 : index
    %get3A_7 = vector.load %arg1[%get3A_4, %get3A_5, %get3A_6] : memref<2x1000x128xf32, #tpu.memory_space<vmem>>, vector<1x1000x128xf32>
    %get3A_8 = vector.shape_cast %get3A_7 : vector<1x1000x128xf32> to vector<1000x128xf32>
    %add3A = arith.addf %get3A_3, %get3A_8 : vector<1000x128xf32>
    %get3A_9 = arith.constant 0 : index
    %get3A_10 = arith.constant 0 : index
    %get3A_11 = vector.load %arg2[%get3A_9, %get3A_10] : memref<1000x128xf32, #tpu.memory_space<vmem>>, vector<1000x128xf32>
    %add3A_12 = arith.addf %add3A, %get3A_11 : vector<1000x128xf32>
    %get3A_13 = arith.constant 0 : index
    %get3A_14 = arith.constant 0 : index
    %get3A_15 = vector.load %arg3[%get3A_13, %get3A_14] : memref<1000x1xf32, #tpu.memory_space<vmem>>, vector<1000x1xf32>
    %mul3A = vector.broadcast %get3A_15 : vector<1000x1xf32> to vector<1000x128xf32>
    %mul3A_16 = arith.mulf %mul3A, %add3A_12 : vector<1000x128xf32>
    %get3A_17 = arith.constant 0 : index
    %get3A_18 = vector.load %arg4[%get3A_17] : memref<128xf32, #tpu.memory_space<vmem>>, vector<128xf32>
    %broadcast_in_dim3A = vector.shape_cast %get3A_18 : vector<128xf32> to vector<1x128xf32>
    %add3A_19 = vector.broadcast %broadcast_in_dim3A : vector<1x128xf32> to vector<1000x128xf32>
    %add3A_20 = arith.addf %mul3A_16, %add3A_19 : vector<1000x128xf32>
    %gt3A = arith.constant 0.000000e+00 : f32
    %gt3A_21 = vector.broadcast %gt3A : f32 to vector<1000x128xf32>
    %gt3A_22 = arith.cmpf ogt, %add3A_20, %gt3A_21 : vector<1000x128xf32>
    %exp3A = math.exp %add3A_20 : vector<1000x128xf32>
    %sub3A = arith.constant 1.000000e+00 : f32
    %sub3A_23 = vector.broadcast %sub3A : f32 to vector<1000x128xf32>
    %sub3A_24 = arith.subf %exp3A, %sub3A_23 : vector<1000x128xf32>
    %select_n3A = arith.select %gt3A_22, %add3A_20, %sub3A_24 : vector<1000x128xi1>, vector<1000x128xf32>
    %swap3A = arith.constant 0 : index
    %swap3A_25 = arith.constant 0 : index
    %swap3A_26 = vector.load %arg5[%swap3A, %swap3A_25] : memref<1000x128xf32, #tpu.memory_space<vmem>>, vector<1000x128xf32>
    tpu.vector_store %arg5[%swap3A, %swap3A_25], %select_n3A {strides = array<i32>} : memref<1000x128xf32, #tpu.memory_space<vmem>>, vector<1000x128xf32>,
    return
  }
  func.func @transform_0(%arg0: i32) -> (i32, i32, i32) {
    %c0_i32 = arith.constant 0 : i32
    %c0_i32_0 = arith.constant 0 : i32
    %c0_i32_1 = arith.constant 0 : i32
    return %c0_i32, %arg0, %c0_i32_0 : i32, i32, i32
  }
  func.func @transform_1(%arg0: i32) -> (i32, i32) {
    %c0_i32 = arith.constant 0 : i32
    %c0_i32_0 = arith.constant 0 : i32
    return %arg0, %c0_i32 : i32, i32
  }
  func.func @transform_2(%arg0: i32) -> (i32, i32) {
    %c0_i32 = arith.constant 0 : i32
    %c0_i32_0 = arith.constant 0 : i32
    return %arg0, %c0_i32 : i32, i32
  }
  func.func @transform_3(%arg0: i32) -> i32 {
    %c0_i32 = arith.constant 0 : i32
    %c0_i32_0 = arith.constant 0 : i32
    return %c0_i32 : i32
  }
  func.func @transform_4(%arg0: i32) -> (i32, i32) {
    %c0_i32 = arith.constant 0 : i32
    %c0_i32_0 = arith.constant 0 : i32
    return %arg0, %c0_i32 : i32, i32
  }
}

</mosaic_0001>

<sc_bundles>
// kernel: kernel.6.cloned.1.call-start
scs
__scs_entry_jumppad:
0x0: {  	(pc) =	sbr.rel $0x88, $3  }
0x1: {  	(tag) =	ssettag $0x0;
	lr =	simm.s32 $0x1  }
0x2: {  	[smem:$0x3F9C] =	sst lr;
	_ =	strace $0xD0000000  }
0x3: {  	_ = 	snop  }
0x4: {  	_ = 	snop  }
0x5: {  	_ = 	snop  }
0x6: {  	_ = 	snop  }
0x7: {  	_ = 	snop  }
__scs_overlays_trampoline_lowered:
0x8: {  	[smem:$0x3FAB] =	sst s0  }
0x9: {  	[smem:$0x3FAC] =	sst s1  }
0xa: {  	[smem:$0x3FAD] =	sst s2  }
0xb: {  	[smem:$0x3FAE] =	sst s3  }
0xc: {  	[smem:$0x3FAF] =	sst s4  }
0xd: {  	[smem:$0x3FB0] =	sst s5  }
0xe: {  	[smem:$0x3FB1] =	sst s6  }
0xf: {  	[smem:$0x3FB2] =	sst s7  }
0x10: {  	[smem:$0x3FB3] =	sst s8  }
0x11: {  	[smem:$0x3FB4] =	sst s9;
	s0 =	simm.s32 @!p0 $0x0  }
0x12: {  	s1 =	sld [smem:$0x3F9A];
	s0 =	simm.s32 @p0 $0x1  }
0x13: {  	[smem:$0x3FB5] =	sst s0;
	s0 =	simm.s32 @!p1 $0x0  }
0x14: {  	s2 =	sld [smem:$0x3F99];
	s0 =	simm.s32 @p1 $0x1  }
0x15: {  	[smem:$0x3FB6] =	sst s0;
	s0 =	simm.s32 @!p2 $0x0  }
0x16: {  	s3 =	sld [smem:$0x3FDB];
	s0 =	simm.s32 @p2 $0x1  }
0x17: {  	s4 =	simm.s32 $0x1BF5;
	[smem:$0x3FB8] =	sst s0  }
0x18: {  	s0 =	sld [smem:$0x3F9B];
	_ =	swait.ge [sflag:s4], $0x0  }
0x19: {  	s7 =	sld [smem:$0x3F9C]  }
0x1a: {  	s8 =	sadd.s32 $0xFFFFE003, lr  }
0x1b: {  	s9 =	sadd.s32 $0xFFFFFEF7, lr;
	s5 =	simm.s32 $0xFFFFFFFF;
	p2 =	slt.u32 s8, $0xFFFFF086  }
0x1c: {  	p1 =	slt.u32 s9, $0xF7A;
	s5 =	simm.s32 @!p2 $0x0  }
0x1d: {  	s5 =	simm.s32 @p1 $0x1;
	p0 =	seq.s32 s7, s2  }
0x1e: {  	s7 =	smul.u32 @!p0 $0xF7A, s2;
	p2 =	seq.s32 @!p0 s5, $0x0  }
0x1f: {  	s9 =	smul.u32 $0xF7A, s1;
	s8 =	simm.s32 @!p0 $0x1BF5;
	p2 =	por !p2, p0  }
0x20: {  	[sflag:s8] =	ssyncset.s32 @!p0 $0xFFFFF086;
	s6 =	sadd.s32 @!p0 s3, s7;
	s7 =	simm.s32 @!p0 $0x108  }
0x21: {  	s3 =	sadd.s32 s3, s9;
	s6 =	sadd.s32 @!p0 $0x88, s6;
	s7 =	simm.s32 @p2 $0x1082  }
0x22: {  	[simem:s7], [sflag:s8] =	dma.local @!p0 [hbm:s6], $0xF7A  }
0x23: {  	s9 =	sor.u32 $0xD0000000, s2;
	s6 =	simm.s32 $0x108;
	_ =	swait.ge @!p0 [sflag:s8], $0x0  }
0x24: {  	s3 =	sadd.s32 $0x88, s3;
	s6 =	simm.s32 @!p1 $0x1082;
	[sflag:s4] =	ssyncset.s32 $0xFFFFF086  }
0x25: {  	[simem:s6], [sflag:s4] =	dma.local [hbm:s3], $0xF7A  }
0x26: {  	[smem:$0x3F9C] =	sst s1;
	(tag) =	ssettag s2;
	_ =	strace s9  }
0x27: {  	s1 =	sld [smem:$0x3FAC]  }
0x28: {  	s2 =	sld [smem:$0x3FAD]  }
0x29: {  	s4 =	sld [smem:$0x3FAF]  }
0x2a: {  	p0 =	seq.s32 s5, $0x0;
	s5 =	sld [smem:$0x3FB0]  }
0x2b: {  	s6 =	sld [smem:$0x3FB1]  }
0x2c: {  	s7 =	sld [smem:$0x3FB2]  }
0x2d: {  	s3 =	simm.s32 $0x108;
	s8 =	sld [smem:$0x3FB3]  }
0x2e: {  	s3 =	simm.s32 @!p0 $0x1082;
	s9 =	sld [smem:$0x3FB4]  }
0x2f: {  	lr =	sadd.s32 s0, s3;
	s0 =	sld [smem:$0x3FAB]  }
0x30: {  	s3 =	sld [smem:$0x3FAE]  }
0x31: {  	[smem:$0x3FB7] =	sst s10  }
0x32: {  	s10 =	sld [smem:$0x3FB5];
	_ =	sdelay $0x3  }
0x33: {  	p0 =	seq.s32 s10, $0x1;
	s10 =	sld [smem:$0x3FB7];
	_ =	sdelay $0x3  }
0x34: {  	[smem:$0x3FB7] =	sst s10  }
0x35: {  	s10 =	sld [smem:$0x3FB6];
	_ =	sdelay $0x3  }
0x36: {  	p1 =	seq.s32 s10, $0x1;
	s10 =	sld [smem:$0x3FB7];
	_ =	sdelay $0x3  }
0x37: {  	[smem:$0x3FB7] =	sst s10  }
0x38: {  	s10 =	sld [smem:$0x3FB8]  }
0x39: {  	_ = 	snop;
	(pc) =	sbr.ind lr, $3  }
0x3a: {  	_ = 	snop  }
0x3b: {  	_ = 	snop  }
0x3c: {  	p2 =	seq.s32 s10, $0x1;
	s10 =	sld [smem:$0x3FB7]  }
0x3d: {  	_ =	shalt  }
0x3e: {  	_ =	shalt  }
0x3f: {  	_ =	shalt  }
0x40: {  	_ =	shalt  }
0x41: {  	_ =	shalt  }
0x42: {  	_ =	shalt  }
0x43: {  	_ =	shalt  }
0x44: {  	_ =	shalt  }
0x45: {  	_ =	shalt  }
0x46: {  	_ =	shalt  }
0x47: {  	_ =	shalt  }
0x48: {  	_ =	shalt  }
0x49: {  	_ =	shalt  }
0x4a: {  	_ =	shalt  }
0x4b: {  	_ =	shalt  }
0x4c: {  	_ =	shalt  }
0x4d: {  	_ =	shalt  }
0x4e: {  	_ =	shalt  }
0x4f: {  	_ =	shalt  }
0x50: {  	_ =	shalt  }
0x51: {  	_ =	shalt  }
0x52: {  	_ =	shalt  }
0x53: {  	_ =	shalt  }
0x54: {  	_ =	shalt  }
0x55: {  	_ =	shalt  }
0x56: {  	_ =	shalt  }
0x57: {  	_ =	shalt  }
0x58: {  	_ =	shalt  }
0x59: {  	_ =	shalt  }
0x5a: {  	_ =	shalt  }
0x5b: {  	_ =	shalt  }
0x5c: {  	_ =	shalt  }
0x5d: {  	_ =	shalt  }
0x5e: {  	_ =	shalt  }
0x5f: {  	_ =	shalt  }
0x60: {  	_ =	shalt  }
0x61: {  	_ =	shalt  }
0x62: {  	_ =	shalt  }
0x63: {  	_ =	shalt  }
0x64: {  	_ =	shalt  }
0x65: {  	_ =	shalt  }
0x66: {  	_ =	shalt  }
0x67: {  	_ =	shalt  }
0x68: {  	_ =	shalt  }
0x69: {  	_ =	shalt  }
0x6a: {  	_ =	shalt  }
0x6b: {  	_ =	shalt  }
0x6c: {  	_ =	shalt  }
0x6d: {  	_ =	shalt  }
0x6e: {  	_ =	shalt  }
0x6f: {  	_ =	shalt  }
0x70: {  	_ =	shalt  }
0x71: {  	_ =	shalt  }
0x72: {  	_ =	shalt  }
0x73: {  	_ =	shalt  }
0x74: {  	_ =	shalt  }
0x75: {  	_ =	shalt  }
0x76: {  	_ =	shalt  }
0x77: {  	_ =	shalt  }
0x78: {  	_ =	shalt  }
0x79: {  	_ =	shalt  }
0x7a: {  	_ =	shalt  }
0x7b: {  	_ =	shalt  }
0x7c: {  	_ =	shalt  }
0x7d: {  	_ =	shalt  }
0x7e: {  	_ =	shalt  }
0x7f: {  	_ =	shalt  }
0x80: {  	_ =	shalt  }
0x81: {  	_ =	shalt  }
0x82: {  	_ =	shalt  }
0x83: {  	_ =	shalt  }
0x84: {  	_ =	shalt  }
0x85: {  	_ =	shalt  }
0x86: {  	_ =	shalt  }
0x87: {  	_ =	shalt  }
.Lfunc_end0:
.L_simem_size_0:
called_computation_lowered:
.L_overlay_start_0:
0x88: {  	s2 =	sld [smem:$0x3FD9]  }
0x89: {  	s3 =	sld [smem:$0x3FFE];
	_ =	sdelay $0x1  }
0x8a: {  	s1 =	srdreg.scid  }
0x8b: {  	s0 =	sand.u32 $0x1, s1  }
0x8c: {  	s17 =	sshll.u32 s0, $0xA;
	s2 =	sadd.s32 s3, s2  }
0x8d: {  	s2 =	sadd.s32 s2, s17  }
0x8e: {  	[smem:$0x3FC3] =	sst s2  }
0x8f: {  	_ = 	snop  }
0x90: {  	s2 =	sld [smem:$0x3FD0];
	(tm) =	ssettm $0x1  }
0x91: {  	s18 =	sld [smem:$0x3FFB];
	_ =	sdelay $0x3  }
0x92: {  	_ =	strace s18  }
0x93: {  	s3 =	sld [smem:$0x3FFC];
	_ =	sdelay $0x3  }
0x94: {  	_ =	strace s3  }
0x95: {  	s3 =	sld [smem:$0x3FFD];
	_ =	sdelay $0x3  }
0x96: {  	_ =	strace s3  }
0x97: {  	_ =	strace $0x8FFFFFFF  }
0x98: {  	s19 =	sld [smem:$0x3FDB];
	_ =	sdelay $0x1  }
0x99: {  	s4 =	simm.s32 $_scs_section_size  }
0x9a: {  	s5 =	simm.s32 $_size__tile_overlayer_lowered;
	s6 =	simm.s32 $_tile_overlayer_lowered  }
0x9b: {  	s22 =	simm.s32 $0x1BFF;
	s21 =	sshll.u32 s6, $0x1;
	s3 =	sadd.s32 s4, s19  }
0x9c: {  	s7 =	simm.s32 $0x0;
	s20 =	sshll.u32 s5, $0x1;
	s5 =	sadd.s32 s21, s3  }
0x9d: {  	[timem:s7], [sflag:s22] =	dma.local [hbm:s5], s20  }
0x9e: {  	_ =	swait.ge [sflag:s22], s20  }
0x9f: {  	s4 =	ssub.s32 $0x0, s20;
	[sflag:s22] =	ssyncset.done $0x0  }
0xa0: {  	[sflag:s22] =	ssyncadd.s32 s4;
	_ =	sdelay $0x1  }
0xa1: {  	s23 =	simm.s32 $0x1B8B  }
0xa2: {  	_ =	swait.ge [sflag:s23], $0x1  }
0xa3: {  	[sflag:s23] =	ssyncset.done $0x0  }
0xa4: {  	s25 =	simm.s32 $0x1B8E;
	s24 =	sld [smem:$0x3FFE];
	[sflag:s23] =	ssyncadd.s32 $0xFFFFFFFF  }
0xa5: {  	s26 =	simm.s32 $execute0_lowered;
	[smem:$0x3FD2] =	sst s25  }
0xa6: {  	s5 =	sshll.u32 s26, $0x1;
	_ =	strace $0x80000046;
	[dreg:$0x1] =	wrdreg $0xFFFFFFFF  }
0xa7: {  	s28 =	simm.s32 $_size_execute0_lowered;
	s3 =	sadd.s32 s3, s5;
	[dreg:$0x0] =	wrdreg $0x0  }
0xa8: {  	s5 =	sshll.u32 s28, $0x1;
	[dreg:$0x2] =	wrdreg s3  }
0xa9: {  	[dreg:$0x3] =	wrdreg s5  }
0xaa: {  	[dreg:$0x4] =	wrdreg $0xC0  }
0xab: {  	_ =	task [dreg:s7], $0x5FFFF  }
0xac: {  	[dreg:$0x1] =	wrdreg $0xFFFFFFFF  }
0xad: {  	[dreg:$0x0] =	wrdreg $0x60  }
0xae: {  	[dreg:$0x2] =	wrdreg s2  }
0xaf: {  	[dreg:$0x3] =	wrdreg s24  }
0xb0: {  	[dreg:$0x4] =	wrdreg $0x80000  }
0xb1: {  	[dreg:$0x5] =	wrdreg $0x9  }
0xb2: {  	_ =	task.clear_ibuf [dreg:s7], $0x6FFFF;
	_ =	strace $0x90000046  }
0xb3: {  	s29 =	simm.s32 $0x9;
	_ =	strace $0x80000048  }
0xb4: {  	_ =	swait.ge [sflag:s29], $0x1  }
0xb5: {  	[sflag:s29] =	ssyncadd.s32 $0xFFFFFFFF  }
0xb6: {  	_ =	strace $0x90000048  }
0xb7: {  	_ =	sfence  }
0xb8: {  	s30 =	sld [smem:$0x0];
	_ =	sdelay $0x2  }
0xb9: {  	s31 =	sshll.u32 s1, $0xD;
	s1 =	sshrl.u32 s1, $0x2  }
0xba: {  	s3 =	sand.u32 $0x4000, s31;
	s1 =	sadd.s32 s1, s30  }
0xbb: {  	s0 =	sor.u32 s3, s0;
	s1 =	sshll.u32 s1, $0x11  }
0xbc: {  	s0 =	sor.u32 s1, s0  }
0xbd: {  	s0 =	sadd.s32 $0x8F2B, s0  }
0xbe: {  	[sflag:s0] =	ssyncadd.remote.s32 $0x1  }
0xbf: {  	_ =	sfence.sel $0xFFFF  }
0xc0: {  	[dreg:$0x0] =	wrdreg $0xFFFFFFFF;
	(pc) =	sbr.abs _section_cstart, $3  }
0xc1: {  	[dreg:$0x1] =	wrdreg $0xFFFFFFFF  }
0xc2: {  	_ =	task.clear_ibuf [dreg:s7], $0x2FFFF;
	_ =	strace $0x9FFFFFFF  }
0xc3: {  	(tm) =	ssettm $0x7FFFFFFF  }
tec
execute0_lowered:
.L_overlay_start_1:
0x0: {  	(tag) =	ssettag $0x1  }
0x1: {  	s4 =	rddreg [dreg:$0x0]  }
0x2: {  	s5 =	rddreg [dreg:$0x1]  }
0x3: {  	s1 =	rddreg [dreg:$0x2];
	s2 =	srdreg.scid  }
0x4: {  	s0 =	rddreg [dreg:$0x3];
	s7 =	stileid.u32  }
0x5: {  	s12 =	simm.s32 $0x0;
	s6 =	sand.u32 $0x1, s2;
	s2 =	simm.s32 $0x0  }
0x6: {  	s3 =	sshll.u32 s7, $0xC;
	p0 =	sne.s32 s7, $0x0;
	s8 =	sshll.u32 s6, $0xB  }
0x7: {  	[smem:$0x7FF] =	sst s2;
	s10 =	ssub.s32 $0x2, s6;
	s6 =	sshll.u32 s6, $0x4  }
0x8: {  	s8 =	sor.u32 s8, s3;
	_ =	strace $0x80000047;
	s3 =	sadd.s32 $0x11800, s5  }
0x9: {  	s11 =	sshrl.u32 s10, $0x1;
	s6 =	sadd.s32 s6, s5;
	s9 =	sadd.s32 s8, s5  }
0xa: {  	s10 =	ssub.s32 s10, s11;
	s4 =	sadd.s32 s4, s8;
	s6 =	sadd.s32 $0x11E00, s6  }
0xb: {  	s8 =	sshrl.u32 @!p0 s1, $0x3;
	s11 =	simm.s32 $0x1;
	s5 =	sadd.s32 $0x1800, s9  }
0xc: {  	s7 =	smax.u32 s10, $0x1;
	s9 =	simm.s32 $0x2;
	s10 =	simm.s32 $0x50  }
.LBB2_1:
0xd: {  	s13 =	simm.s32 @!p0 $0x1C02  }
0xe: {  	[spmem:s8], [sflag:s13] =	dma.local @!p0 [hbm:s3], $0x4F0  }
0xf: {  	s13 =	simm.s32 @!p0 $0x2  }
0x10: {  	_ =	swait.ge @!p0 [sflag:s13], $0x4F0  }
0x11: {  	[sflag:s13] =	ssyncset.done @!p0 $0x0  }
0x12: {  	[sflag:s13] =	ssyncadd.s32 @!p0 $0xFFFFFB10  }
0x13: {  	[tilespmem:s2], [sflag:$0x2] =	stream.linear.gather [hbm4b:s4+s2], $0x3F00, $0x38;
	[tilespmem:$0x8278] =	vst v63  }
0x14: {  	_ =	swait.ge [sflag:s9], $0x3F00  }
0x15: {  	[sflag:s9] =	ssyncset.done $0x0  }
0x16: {  	s13 =	simm.s32 $0x4000;
	[sflag:s9] =	ssyncadd.s32 $0xFFFFC100  }
0x17: {  	[tilespmem:s13], [sflag:$0x2] =	stream.linear.gather [hbm4b:s5+s2], $0x3F00, $0x38;
	[tilespmem:$0x8278] =	vst v63  }
0x18: {  	_ =	swait.ge [sflag:s9], $0x3F00  }
0x19: {  	[sflag:s9] =	ssyncset.done $0x0  }
0x1a: {  	p1 =	por $0x1, $0x1;
	[sflag:s9] =	ssyncadd.s32 $0xFFFFC100  }
0x1b: {  	s16 =	simm.s32 @!p1 $0x1;
	[bflag:$0x0] =	sbarrier.arrive $0xFFFF  }
0x1c: {  	[spmem:s1] =	stream.indirect.scatter.add.f32 [tilespmem:s13], [sflag:$0x1], $0x1, s2, s10, $0xb8;
	[tilespmem:$0x8278] =	vst v63  }
0x1d: {  	_ =	swait.ge @!p1 [sflag:s16], $0x50  }
0x1e: {  	s14 =	simm.s32 $0x1;
	s15 =	simm.s32 $0x80;
	[sflag:s16] =	ssyncset.done @!p1 $0x0  }
.LBB2_2:
0x1f: {  	[sflag:s16] =	ssyncadd.s32 @!p1 $0xFFFFFFB0  }
0x20: {  	s13 =	sadd.s32 $0x80, s13;
	s16 =	smov.u32 s14;
	s14 =	sadd.s32 $0x1, s14  }
0x21: {  	p2 =	sne.s32 s14, $0x7E  }
0x22: {  	[spmem:s1] =	stream.indirect.scatter.add.f32 [tilespmem:s13], [sflag:$0x1], $0x1, s15, s10, $0xb8;
	[tilespmem:$0x8278] =	vst v63  }
.Ltmp0:
0x23: {  	_ = 	snop;
	(pc) =	sbr.rel @p2 .LBB2_2-.Ltmp0, $4  }
0x24: {  	p1 =	slt.u32 s16, $0x8  }
0x25: {  	s16 =	simm.s32 @!p1 $0x1  }
0x26: {  	_ =	swait.ge @!p1 [sflag:s16], $0x50  }
0x27: {  	s15 =	sadd.s32 $0x80, s15;
	[sflag:s16] =	ssyncset.done @!p1 $0x0  }
0x28: {  	[sflag:s16] =	ssyncadd.s32 @!p1 $0xFFFFFFB0  }
0x29: {  	_ =	swait.ge [sflag:s11], $0x50  }
0x2a: {  	[sflag:s11] =	ssyncset.done $0x0  }
0x2b: {  	[sflag:s11] =	ssyncadd.s32 $0xFFFFFFB0  }
0x2c: {  	_ =	swait.ge [sflag:s11], $0x50  }
0x2d: {  	[sflag:s11] =	ssyncset.done $0x0  }
0x2e: {  	[sflag:s11] =	ssyncadd.s32 $0xFFFFFFB0  }
0x2f: {  	_ =	swait.ge [sflag:s11], $0x50  }
0x30: {  	[sflag:s11] =	ssyncset.done $0x0  }
0x31: {  	[sflag:s11] =	ssyncadd.s32 $0xFFFFFFB0  }
0x32: {  	_ =	swait.ge [sflag:s11], $0x50  }
0x33: {  	[sflag:s11] =	ssyncset.done $0x0  }
0x34: {  	[sflag:s11] =	ssyncadd.s32 $0xFFFFFFB0  }
0x35: {  	_ =	swait.ge [sflag:s11], $0x50  }
0x36: {  	[sflag:s11] =	ssyncset.done $0x0  }
0x37: {  	[sflag:s11] =	ssyncadd.s32 $0xFFFFFFB0  }
0x38: {  	_ =	swait.ge [sflag:s11], $0x50  }
0x39: {  	[sflag:s11] =	ssyncset.done $0x0  }
0x3a: {  	[sflag:s11] =	ssyncadd.s32 $0xFFFFFFB0  }
0x3b: {  	_ =	swait.ge [sflag:s11], $0x50  }
0x3c: {  	[sflag:s11] =	ssyncset.done $0x0  }
0x3d: {  	[sflag:s11] =	ssyncadd.s32 $0xFFFFFFB0  }
0x3e: {  	_ =	swait.ge [sflag:s11], $0x50  }
0x3f: {  	s13 =	simm.s32 @!p0 $0x1;
	s14 =	simm.s32 @!p0 $0x20;
	[sflag:s11] =	ssyncset.done $0x0  }
0x40: {  	s15 =	simm.s32 @!p0 $0x10;
	s12 =	sadd.s32 $0x1, s12;
	[sflag:s11] =	ssyncadd.s32 $0xFFFFFFB0  }
0x41: {  	s16 =	simm.s32 @!p0 $0x1C02;
	p1 =	sne.s32 s12, s7;
	[bflag:$0x0] =	sbarrier.arrive $0xFFFF  }
0x42: {  	[hbm:s6@s14], [sflag:s16] =	dma.strided @!p0 [spmem:s8@s15], $0x4F0, s13, $0x10   }
.Ltmp1:
0x43: {  	_ = 	snop;
	(pc) =	sbr.rel @p1 .LBB2_1-.Ltmp1, $4  }
0x44: {  	s13 =	simm.s32 @!p0 $0x2  }
0x45: {  	_ =	swait.ge @!p0 [sflag:s13], $0x4F0  }
0x46: {  	[sflag:s13] =	ssyncset.done @!p0 $0x0  }
0x47: {  	[sflag:s13] =	ssyncadd.s32 @!p0 $0xFFFFFB10  }
0x48: {  	_ =	sfence.sel $0x180000  }
0x49: {  	[bflag:$0x0] =	sbarrier.arrive $0xFFFF  }
0x4a: {  	_ =	strace $0x90000047  }
0x4b: {  	s0 =	sadd.s32 @!p0 $0x100000, s0;
	[bflag:$0x2] =	sbarrier.arrive $0xFFFF  }
0x4c: {  	[sflag:s0] =	ssyncadd.tile.s32 @!p0 $0x1;
	_ =	shalt  }
.Lfunc_end2:
_tile_overlayer_lowered:
.L_overlay_start_2:
0x4d: {  	(tag) =	ssettag $0x2  }
0x4e: {  	s0 =	rddreg [dreg:$0x0];
	s2 =	stileid.u32  }
0x4f: {  	s1 =	rddreg [dreg:$0x1];
	p0 =	sne.s32 s2, $0x0  }
0x50: {  	s3 =	rddreg [dreg:$0x2];
	[bflag:$0x3] =	sbarrier.arrive $0xFFFF;
	s2 =	simm.s32 @!p0 $0x1C02  }
0x51: {  	[timem:s3], [sflag:s2] =	dma.local @!p0 [hbm:s0], s1  }
0x52: {  	s0 =	simm.s32 @!p0 $0x2  }
0x53: {  	_ =	swait.ge @!p0 [sflag:s0], s1  }
0x54: {  	s1 =	ssub.s32 @!p0 $0x0, s1;
	[sflag:s0] =	ssyncset.done @!p0 $0x0  }
0x55: {  	[sflag:s0] =	ssyncadd.s32 @!p0 s1  }
0x56: {  	[bflag:$0x3] =	sbarrier.arrive $0xFFFF  }
0x57: {  	_ =	shalt  }

// kernel: kernel.9.cloned.1.call-start
scs
__scs_entry_jumppad:
0x0: {  	(pc) =	sbr.rel $0x88, $3  }
0x1: {  	(tag) =	ssettag $0x0;
	lr =	simm.s32 $0x1  }
0x2: {  	[smem:$0x3F9C] =	sst lr;
	_ =	strace $0xD0000000  }
0x3: {  	_ = 	snop  }
0x4: {  	_ = 	snop  }
0x5: {  	_ = 	snop  }
0x6: {  	_ = 	snop  }
0x7: {  	_ = 	snop  }
__scs_overlays_trampoline_lowered:
0x8: {  	[smem:$0x3FAB] =	sst s0  }
0x9: {  	[smem:$0x3FAC] =	sst s1  }
0xa: {  	[smem:$0x3FAD] =	sst s2  }
0xb: {  	[smem:$0x3FAE] =	sst s3  }
0xc: {  	[smem:$0x3FAF] =	sst s4  }
0xd: {  	[smem:$0x3FB0] =	sst s5  }
0xe: {  	[smem:$0x3FB1] =	sst s6  }
0xf: {  	[smem:$0x3FB2] =	sst s7  }
0x10: {  	[smem:$0x3FB3] =	sst s8  }
0x11: {  	[smem:$0x3FB4] =	sst s9;
	s0 =	simm.s32 @!p0 $0x0  }
0x12: {  	s1 =	sld [smem:$0x3F9A];
	s0 =	simm.s32 @p0 $0x1  }
0x13: {  	[smem:$0x3FB5] =	sst s0;
	s0 =	simm.s32 @!p1 $0x0  }
0x14: {  	s2 =	sld [smem:$0x3F99];
	s0 =	simm.s32 @p1 $0x1  }
0x15: {  	[smem:$0x3FB6] =	sst s0;
	s0 =	simm.s32 @!p2 $0x0  }
0x16: {  	s3 =	sld [smem:$0x3FDB];
	s0 =	simm.s32 @p2 $0x1  }
0x17: {  	s4 =	simm.s32 $0x1BF5;
	[smem:$0x3FB8] =	sst s0  }
0x18: {  	s0 =	sld [smem:$0x3F9B];
	_ =	swait.ge [sflag:s4], $0x0  }
0x19: {  	s7 =	sld [smem:$0x3F9C]  }
0x1a: {  	s8 =	sadd.s32 $0xFFFFE003, lr  }
0x1b: {  	s9 =	sadd.s32 $0xFFFFFEF7, lr;
	s5 =	simm.s32 $0xFFFFFFFF;
	p2 =	slt.u32 s8, $0xFFFFF086  }
0x1c: {  	p1 =	slt.u32 s9, $0xF7A;
	s5 =	simm.s32 @!p2 $0x0  }
0x1d: {  	s5 =	simm.s32 @p1 $0x1;
	p0 =	seq.s32 s7, s2  }
0x1e: {  	s7 =	smul.u32 @!p0 $0xF7A, s2;
	p2 =	seq.s32 @!p0 s5, $0x0  }
0x1f: {  	s9 =	smul.u32 $0xF7A, s1;
	s8 =	simm.s32 @!p0 $0x1BF5;
	p2 =	por !p2, p0  }
0x20: {  	[sflag:s8] =	ssyncset.s32 @!p0 $0xFFFFF086;
	s6 =	sadd.s32 @!p0 s3, s7;
	s7 =	simm.s32 @!p0 $0x108  }
0x21: {  	s3 =	sadd.s32 s3, s9;
	s6 =	sadd.s32 @!p0 $0x88, s6;
	s7 =	simm.s32 @p2 $0x1082  }
0x22: {  	[simem:s7], [sflag:s8] =	dma.local @!p0 [hbm:s6], $0xF7A  }
0x23: {  	s9 =	sor.u32 $0xD0000000, s2;
	s6 =	simm.s32 $0x108;
	_ =	swait.ge @!p0 [sflag:s8], $0x0  }
0x24: {  	s3 =	sadd.s32 $0x88, s3;
	s6 =	simm.s32 @!p1 $0x1082;
	[sflag:s4] =	ssyncset.s32 $0xFFFFF086  }
0x25: {  	[simem:s6], [sflag:s4] =	dma.local [hbm:s3], $0xF7A  }
0x26: {  	[smem:$0x3F9C] =	sst s1;
	(tag) =	ssettag s2;
	_ =	strace s9  }
0x27: {  	s1 =	sld [smem:$0x3FAC]  }
0x28: {  	s2 =	sld [smem:$0x3FAD]  }
0x29: {  	s4 =	sld [smem:$0x3FAF]  }
0x2a: {  	p0 =	seq.s32 s5, $0x0;
	s5 =	sld [smem:$0x3FB0]  }
0x2b: {  	s6 =	sld [smem:$0x3FB1]  }
0x2c: {  	s7 =	sld [smem:$0x3FB2]  }
0x2d: {  	s3 =	simm.s32 $0x108;
	s8 =	sld [smem:$0x3FB3]  }
0x2e: {  	s3 =	simm.s32 @!p0 $0x1082;
	s9 =	sld [smem:$0x3FB4]  }
0x2f: {  	lr =	sadd.s32 s0, s3;
	s0 =	sld [smem:$0x3FAB]  }
0x30: {  	s3 =	sld [smem:$0x3FAE]  }
0x31: {  	[smem:$0x3FB7] =	sst s10  }
0x32: {  	s10 =	sld [smem:$0x3FB5];
	_ =	sdelay $0x3  }
0x33: {  	p0 =	seq.s32 s10, $0x1;
	s10 =	sld [smem:$0x3FB7];
	_ =	sdelay $0x3  }
0x34: {  	[smem:$0x3FB7] =	sst s10  }
0x35: {  	s10 =	sld [smem:$0x3FB6];
	_ =	sdelay $0x3  }
0x36: {  	p1 =	seq.s32 s10, $0x1;
	s10 =	sld [smem:$0x3FB7];
	_ =	sdelay $0x3  }
0x37: {  	[smem:$0x3FB7] =	sst s10  }
0x38: {  	s10 =	sld [smem:$0x3FB8]  }
0x39: {  	_ = 	snop;
	(pc) =	sbr.ind lr, $3  }
0x3a: {  	_ = 	snop  }
0x3b: {  	_ = 	snop  }
0x3c: {  	p2 =	seq.s32 s10, $0x1;
	s10 =	sld [smem:$0x3FB7]  }
0x3d: {  	_ =	shalt  }
0x3e: {  	_ =	shalt  }
0x3f: {  	_ =	shalt  }
0x40: {  	_ =	shalt  }
0x41: {  	_ =	shalt  }
0x42: {  	_ =	shalt  }
0x43: {  	_ =	shalt  }
0x44: {  	_ =	shalt  }
0x45: {  	_ =	shalt  }
0x46: {  	_ =	shalt  }
0x47: {  	_ =	shalt  }
0x48: {  	_ =	shalt  }
0x49: {  	_ =	shalt  }
0x4a: {  	_ =	shalt  }
0x4b: {  	_ =	shalt  }
0x4c: {  	_ =	shalt  }
0x4d: {  	_ =	shalt  }
0x4e: {  	_ =	shalt  }
0x4f: {  	_ =	shalt  }
0x50: {  	_ =	shalt  }
0x51: {  	_ =	shalt  }
0x52: {  	_ =	shalt  }
0x53: {  	_ =	shalt  }
0x54: {  	_ =	shalt  }
0x55: {  	_ =	shalt  }
0x56: {  	_ =	shalt  }
0x57: {  	_ =	shalt  }
0x58: {  	_ =	shalt  }
0x59: {  	_ =	shalt  }
0x5a: {  	_ =	shalt  }
0x5b: {  	_ =	shalt  }
0x5c: {  	_ =	shalt  }
0x5d: {  	_ =	shalt  }
0x5e: {  	_ =	shalt  }
0x5f: {  	_ =	shalt  }
0x60: {  	_ =	shalt  }
0x61: {  	_ =	shalt  }
0x62: {  	_ =	shalt  }
0x63: {  	_ =	shalt  }
0x64: {  	_ =	shalt  }
0x65: {  	_ =	shalt  }
0x66: {  	_ =	shalt  }
0x67: {  	_ =	shalt  }
0x68: {  	_ =	shalt  }
0x69: {  	_ =	shalt  }
0x6a: {  	_ =	shalt  }
0x6b: {  	_ =	shalt  }
0x6c: {  	_ =	shalt  }
0x6d: {  	_ =	shalt  }
0x6e: {  	_ =	shalt  }
0x6f: {  	_ =	shalt  }
0x70: {  	_ =	shalt  }
0x71: {  	_ =	shalt  }
0x72: {  	_ =	shalt  }
0x73: {  	_ =	shalt  }
0x74: {  	_ =	shalt  }
0x75: {  	_ =	shalt  }
0x76: {  	_ =	shalt  }
0x77: {  	_ =	shalt  }
0x78: {  	_ =	shalt  }
0x79: {  	_ =	shalt  }
0x7a: {  	_ =	shalt  }
0x7b: {  	_ =	shalt  }
0x7c: {  	_ =	shalt  }
0x7d: {  	_ =	shalt  }
0x7e: {  	_ =	shalt  }
0x7f: {  	_ =	shalt  }
0x80: {  	_ =	shalt  }
0x81: {  	_ =	shalt  }
0x82: {  	_ =	shalt  }
0x83: {  	_ =	shalt  }
0x84: {  	_ =	shalt  }
0x85: {  	_ =	shalt  }
0x86: {  	_ =	shalt  }
0x87: {  	_ =	shalt  }
.Lfunc_end0:
.L_simem_size_0:
called_computation.1_lowered:
.L_overlay_start_0:
0x88: {  	s2 =	sld [smem:$0x3FD9]  }
0x89: {  	s3 =	sld [smem:$0x3FFE];
	_ =	sdelay $0x1  }
0x8a: {  	s1 =	srdreg.scid  }
0x8b: {  	s0 =	sand.u32 $0x1, s1  }
0x8c: {  	s17 =	sshll.u32 s0, $0xA;
	s2 =	sadd.s32 s3, s2  }
0x8d: {  	s2 =	sadd.s32 s2, s17  }
0x8e: {  	[smem:$0x3FC3] =	sst s2  }
0x8f: {  	_ = 	snop  }
0x90: {  	s2 =	sld [smem:$0x3FD0];
	(tm) =	ssettm $0x1  }
0x91: {  	s18 =	sld [smem:$0x3FFB];
	_ =	sdelay $0x3  }
0x92: {  	_ =	strace s18  }
0x93: {  	s3 =	sld [smem:$0x3FFC];
	_ =	sdelay $0x3  }
0x94: {  	_ =	strace s3  }
0x95: {  	s3 =	sld [smem:$0x3FFD];
	_ =	sdelay $0x3  }
0x96: {  	_ =	strace s3  }
0x97: {  	_ =	strace $0x8FFFFFFF  }
0x98: {  	s19 =	sld [smem:$0x3FDB];
	_ =	sdelay $0x1  }
0x99: {  	s4 =	simm.s32 $_scs_section_size  }
0x9a: {  	s5 =	simm.s32 $_size__tile_overlayer_lowered;
	s6 =	simm.s32 $_tile_overlayer_lowered  }
0x9b: {  	s22 =	simm.s32 $0x1BFF;
	s21 =	sshll.u32 s6, $0x1;
	s3 =	sadd.s32 s4, s19  }
0x9c: {  	s7 =	simm.s32 $0x0;
	s20 =	sshll.u32 s5, $0x1;
	s5 =	sadd.s32 s21, s3  }
0x9d: {  	[timem:s7], [sflag:s22] =	dma.local [hbm:s5], s20  }
0x9e: {  	_ =	swait.ge [sflag:s22], s20  }
0x9f: {  	s4 =	ssub.s32 $0x0, s20;
	[sflag:s22] =	ssyncset.done $0x0  }
0xa0: {  	[sflag:s22] =	ssyncadd.s32 s4;
	_ =	sdelay $0x1  }
0xa1: {  	s23 =	simm.s32 $0x1B8B  }
0xa2: {  	_ =	swait.ge [sflag:s23], $0x1  }
0xa3: {  	[sflag:s23] =	ssyncset.done $0x0  }
0xa4: {  	s25 =	simm.s32 $0x1B8E;
	s24 =	sld [smem:$0x3FFE];
	[sflag:s23] =	ssyncadd.s32 $0xFFFFFFFF  }
0xa5: {  	s26 =	simm.s32 $execute0_lowered;
	[smem:$0x3FD2] =	sst s25  }
0xa6: {  	s5 =	sshll.u32 s26, $0x1;
	_ =	strace $0x80000049;
	[dreg:$0x1] =	wrdreg $0xFFFFFFFF  }
0xa7: {  	s28 =	simm.s32 $_size_execute0_lowered;
	s3 =	sadd.s32 s3, s5;
	[dreg:$0x0] =	wrdreg $0x0  }
0xa8: {  	s5 =	sshll.u32 s28, $0x1;
	[dreg:$0x2] =	wrdreg s3  }
0xa9: {  	[dreg:$0x3] =	wrdreg s5  }
0xaa: {  	[dreg:$0x4] =	wrdreg $0xC0  }
0xab: {  	_ =	task [dreg:s7], $0x5FFFF  }
0xac: {  	[dreg:$0x1] =	wrdreg $0xFFFFFFFF  }
0xad: {  	[dreg:$0x0] =	wrdreg $0x60  }
0xae: {  	[dreg:$0x2] =	wrdreg s24  }
0xaf: {  	[dreg:$0x3] =	wrdreg s2  }
0xb0: {  	[dreg:$0x4] =	wrdreg $0xAC000  }
0xb1: {  	[dreg:$0x5] =	wrdreg $0x9  }
0xb2: {  	_ =	task.clear_ibuf [dreg:s7], $0x6FFFF;
	_ =	strace $0x90000049  }
0xb3: {  	s29 =	simm.s32 $0x9;
	_ =	strace $0x8000004B  }
0xb4: {  	_ =	swait.ge [sflag:s29], $0x1  }
0xb5: {  	[sflag:s29] =	ssyncadd.s32 $0xFFFFFFFF  }
0xb6: {  	_ =	strace $0x9000004B  }
0xb7: {  	_ =	sfence  }
0xb8: {  	s30 =	sld [smem:$0x0];
	_ =	sdelay $0x2  }
0xb9: {  	s31 =	sshll.u32 s1, $0xD;
	s1 =	sshrl.u32 s1, $0x2  }
0xba: {  	s3 =	sand.u32 $0x4000, s31;
	s1 =	sadd.s32 s1, s30  }
0xbb: {  	s0 =	sor.u32 s3, s0;
	s1 =	sshll.u32 s1, $0x11  }
0xbc: {  	s0 =	sor.u32 s1, s0  }
0xbd: {  	s0 =	sadd.s32 $0x8F2B, s0  }
0xbe: {  	[sflag:s0] =	ssyncadd.remote.s32 $0x1  }
0xbf: {  	_ =	sfence.sel $0xFFFF  }
0xc0: {  	[dreg:$0x0] =	wrdreg $0xFFFFFFFF;
	(pc) =	sbr.abs _section_cstart, $3  }
0xc1: {  	[dreg:$0x1] =	wrdreg $0xFFFFFFFF  }
0xc2: {  	_ =	task.clear_ibuf [dreg:s7], $0x2FFFF;
	_ =	strace $0x9FFFFFFF  }
0xc3: {  	(tm) =	ssettm $0x7FFFFFFF  }
tec
execute0_lowered:
.L_overlay_start_1:
0x0: {  	(tag) =	ssettag $0x1  }
0x1: {  	s0 =	rddreg [dreg:$0x0]  }
0x2: {  	s1 =	rddreg [dreg:$0x1]  }
0x3: {  	s3 =	rddreg [dreg:$0x2];
	s4 =	simm.s32 $0x0;
	s13 =	stileid.u32  }
0x4: {  	s2 =	srdreg.scid;
	s16 =	simm.s32 $0x7;
	s28 =	simm.s32 $0x2  }
0x5: {  	s29 =	simm.s32 $0x8400;
	s31 =	simm.s32 $0x4;
	[smem:$0x7FF] =	sst s4  }
0x6: {  	s6 =	smul.u32 $0x2700, s13;
	s2 =	sand.u32 $0x1, s2;
	s7 =	sshll.u32 s13, $0x1  }
0x7: {  	s5 =	sadd.s32 $0x12800, s0;
	s21 =	sadd.s32 $0x78A00, s0;
	s11 =	smul.u32 $0x4E000, s13  }
0x8: {  	s24 =	smul.u32 $0x13800, s13;
	p0 =	seq.s32 s13, $0xF;
	_ =	strace $0x8000004A  }
0x9: {  	s7 =	sor.u32 s2, s7;
	s9 =	ssub.s32 $0x2, s2;
	s2 =	smul.u32 $0x138800, s2  }
0xa: {  	s8 =	sadd.s32 s6, s0;
	s6 =	smul.u32 $0xFC00, s7;
	s10 =	sshrl.u32 s9, $0x1  }
0xb: {  	s23 =	sshrl.u32 s11, $0x2;
	s0 =	sadd.s32 $0x76100, s0;
	s9 =	ssub.s32 s9, s10  }
0xc: {  	s10 =	sadd.s32 s23, s3;
	s8 =	sadd.s32 $0x51800, s8;
	s11 =	sadd.s32 s24, s2  }
0xd: {  	[dreg:$0x8] =	wrdreg s0;
	s2 =	sshrl.u32 s2, $0x3;
	s23 =	simm.s32 $0xC00  }
0xe: {  	s24 =	simm.s32 $0x3400;
	s22 =	sshrl.u32 s6, $0x3;
	[dreg:$0x7] =	wrdreg s8  }
0xf: {  	s8 =	sadd.s32 $0x124800, s3;
	s25 =	sshrl.u32 s11, $0x3;
	s30 =	smax.u32 s9, $0x1  }
0x10: {  	s26 =	sadd.s32 s21, s2;
	s10 =	sshrl.u32 @!p0 s10, $0x3;
	[dreg:$0xb] =	wrdreg s30  }
0x11: {  	s2 =	simm.s32 $0x0;
	s12 =	sadd.s32 s5, s22;
	[dreg:$0xc] =	wrdreg s10  }
0x12: {  	s0 =	sadd.s32 s21, s25;
	s9 =	sshrl.u32 @p0 s8, $0x3;
	[dreg:$0x4] =	wrdreg s12  }
.Ltmp0:
0x13: {  	s14 =	sadd.s32 $0x40, s12;
	[dreg:$0x9] =	wrdreg s0;
	(pc) =	sbr.rel .LBB2_1-.Ltmp0, $4  }
0x14: {  	s22 =	simm.s32 $0x50;
	s12 =	sadd.s32 $0x80, s12;
	[dreg:$0x5] =	wrdreg s14  }
0x15: {  	s25 =	simm.s32 $0x1;
	s0 =	sadd.s32 $0x24900, s26;
	[dreg:$0x6] =	wrdreg s12  }
0x16: {  	s26 =	simm.s32 $0x5C00;
	[dreg:$0xa] =	wrdreg s0;
	s0 =	sshll.u32 @!p0 s13, $0x6  }
0x17: {  	s12 =	sadd.s32 $0x600, s6;
	s11 =	sor.u32 @!p0 $0x1C07, s0;
	s0 =	simm.s32 $0x5  }
.LBB2_15:
0x18: {  	s7 =	simm.s32 $0x3  }
0x19: {  	_ =	swait.ge [sflag:s7], $0x2800  }
0x1a: {  	[sflag:s7] =	ssyncset.done $0x0  }
0x1b: {  	[sflag:s7] =	ssyncadd.s32 $0xFFFFD800  }
0x1c: {  	_ =	swait.ge [sflag:s31], $0x2800  }
0x1d: {  	[sflag:s31] =	ssyncset.done $0x0  }
0x1e: {  	[sflag:s31] =	ssyncadd.s32 $0xFFFFD800  }
0x1f: {  	[bflag:$0x0] =	sbarrier.arrive $0xFFFF  }
0x20: {  	s7 =	simm.s32 @p0 $0x1FC7;
	s8 =	rddreg [dreg:$0xa]  }
0x21: {  	[hbm:s8], [sflag:s7] =	dma.local @p0 [spmem:s20], $0x2800  }
0x22: {  	s7 =	simm.s32 @p0 $0x7  }
0x23: {  	_ =	swait.ge @p0 [sflag:s7], $0x2800  }
0x24: {  	[sflag:s7] =	ssyncset.done @p0 $0x0;
	s10 =	rddreg [dreg:$0xc]  }
0x25: {  	[sflag:s7] =	ssyncadd.s32 @p0 $0xFFFFD800;
	s7 =	rddreg [dreg:$0x9]  }
0x26: {  	[hbm:s7], [sflag:s21] =	dma.local @!p0 [spmem:s10], $0x2700  }
0x27: {  	s7 =	simm.s32 @!p0 $0x7  }
0x28: {  	_ =	swait.ge @!p0 [sflag:s7], $0x2700  }
0x29: {  	s2 =	sadd.s32 $0x1, s2;
	s30 =	rddreg [dreg:$0xb]  }
0x2a: {  	p1 =	sne.s32 s2, s30  }
.Ltmp1:
0x2b: {  	_ = 	snop;
	(pc) =	sbr.rel @!p1 .LBB2_16-.Ltmp1, $3  }
0x2c: {  	_ =	sdelay $0x1  }
0x2d: {  	[sflag:s7] =	ssyncset.done @!p0 $0x0  }
0x2e: {  	s9 =	smov.u32 s20;
	s11 =	smov.u32 s21;
	[sflag:s7] =	ssyncadd.s32 @!p0 $0xFFFFD900  }
.LBB2_1:
0x2f: {  	s7 =	rddreg [dreg:$0x4]  }
0x30: {  	[tilespmem:s4], [sflag:$0x7] =	stream.linear.gather [hbm4b:s7+s4], $0x180, $0x38;
	[tilespmem:$0x1E480] =	vst v63  }
0x31: {  	_ =	swait.ge [sflag:s16], $0x180  }
0x32: {  	[sflag:s16] =	ssyncset.done $0x0  }
0x33: {  	s8 =	simm.s32 $0x180;
	s20 =	rddreg [dreg:$0x5];
	[sflag:s16] =	ssyncadd.s32 $0xFFFFFE80  }
0x34: {  	[tilespmem:s8], [sflag:$0x7] =	stream.linear.gather [hbm4b:s20+s4], $0x180, $0x38;
	[tilespmem:$0x1E480] =	vst v63  }
0x35: {  	_ =	swait.ge [sflag:s16], $0x180  }
0x36: {  	[sflag:s16] =	ssyncset.done $0x0  }
0x37: {  	s30 =	simm.s32 $0x300;
	s21 =	rddreg [dreg:$0x6];
	[sflag:s16] =	ssyncadd.s32 $0xFFFFFE80  }
0x38: {  	[tilespmem:s30], [sflag:$0x7] =	stream.linear.gather [hbm4b:s21+s4], $0x180, $0x38;
	[tilespmem:$0x1E480] =	vst v63  }
0x39: {  	_ =	swait.ge [sflag:s16], $0x180  }
0x3a: {  	[sflag:s16] =	ssyncset.done $0x0  }
0x3b: {  	s7 =	simm.s32 @p0 $0x1FC7;
	s8 =	rddreg [dreg:$0x8];
	[sflag:s16] =	ssyncadd.s32 $0xFFFFFE80  }
0x3c: {  	[spmem:s9], [sflag:s7] =	dma.local @p0 [hbm:s8], $0x2800  }
0x3d: {  	s7 =	simm.s32 @p0 $0x7  }
0x3e: {  	_ =	swait.ge @p0 [sflag:s7], $0x2800  }
0x3f: {  	[sflag:s7] =	ssyncset.done @p0 $0x0  }
0x40: {  	[sflag:s7] =	ssyncadd.s32 @p0 $0xFFFFD800;
	s7 =	rddreg [dreg:$0x7]  }
0x41: {  	[spmem:s10], [sflag:s11] =	dma.local @!p0 [hbm:s7], $0x2700  }
0x42: {  	s7 =	simm.s32 @!p0 $0x7  }
0x43: {  	_ =	swait.ge @!p0 [sflag:s7], $0x2700  }
0x44: {  	[sflag:s7] =	ssyncset.done @!p0 $0x0  }
0x45: {  	s17 =	simm.s32 $0x0;
	[sflag:s7] =	ssyncadd.s32 @!p0 $0xFFFFD900  }
0x46: {  	s20 =	smov.u32 s9;
	s21 =	smov.u32 s11;
	[bflag:$0x0] =	sbarrier.arrive $0xFFFF  }
0x47: {  	[tilespmem:s23], [sflag:$0x1] =	stream.indirect.gather [hbm4b:s1+s22], $0x80, s4, s22, $0xb8;
	[tilespmem:$0x1E480] =	vst v63  }
.LBB2_2:
0x48: {  	s7 =	smul.u32 $0x156, s17;
	_ =	sdelay $0x1  }
0x49: {  	s7 =	sshrl.u32 s7, $0xA  }
0x4a: {  	s7 =	sand.u32 $0x3F, s7  }
0x4b: {  	s8 =	smul.u32 $0x6, s7  }
0x4c: {  	s7 =	sshll.u32 s17, $0x1  }
0x4d: {  	s8 =	ssub.s32 s7, s8  }
0x4e: {  	s8 =	sand.u32 $0xFE, s8  }
0x4f: {  	p1 =	seq.s32 s17, $0x0;
	s9 =	smul.u32 $0x3, s8  }
0x50: {  	s11 =	simm.s32 $0x0;
	s10 =	simm.s32 @!p1 $0x6;
	s8 =	smul.u32 $0x600, s8  }
0x51: {  	s13 =	simm.s32 $0x1;
	_ =	swait.ge @!p1 [sflag:s10], $0x180;
	s9 =	sshll.u32 s9, $0x7  }
0x52: {  	v0 =	vmov s11;
	[sflag:s10] =	ssyncset.done @!p1 $0x0;
	s18 =	sshrl.u32 s8, $0x2;
	s19 =	sadd.s32 $0x100, s9  }
0x53: {  	s15 =	simm.s32 $0x3;
	v1 =	vmov s13;
	v0 =	vand.u32 $0x7C, v0;
	[sflag:s10] =	ssyncadd.s32 @!p1 $0xFFFFFE80;
	s14 =	sadd.s32 $0x180, s18;
	v7 =	vmov s19  }
0x54: {  	v2 =	vmov s15;
	v1 =	vand.u32 $0x7D, v1;
	[tilespmem:s24], [sflag:$0x2] =	stream.indirect.gather [hbm4b:s1+s22], $0x80, s14, s22, $0xb8;
	v0 =	vor.u32 v7, v0;
	[tilespmem:$0x1E480] =	vst v63  }
0x55: {  	v2 =	vand.u32 $0x7F, v2;
	_ =	swait.ge [sflag:s25], $0x2800;
	v1 =	vor.u32 v7, v1;
	v0 =	vbroadcast v0, $0x0  }
0x56: {  	v2 =	vor.u32 v7, v2;
	[sflag:s25] =	ssyncset.done $0x0;
	v1 =	vbroadcast v1, $0x0  }
0x57: {  	s8 =	simm.s32 @!p1 $0x3;
	s19 =	simm.s32 $0x2;
	v2 =	vbroadcast v2, $0x0;
	[sflag:s25] =	ssyncadd.s32 $0xFFFFD800  }
0x58: {  	v3 =	vmov s19;
	_ =	swait.ge @!p1 [sflag:s8], $0x2800  }
0x59: {  	v3 =	vand.u32 $0x7E, v3;
	[sflag:s8] =	ssyncset.done @!p1 $0x0  }
0x5a: {  	v3 =	vor.u32 v7, v3;
	[sflag:s8] =	ssyncadd.s32 @!p1 $0xFFFFD800  }
0x5b: {  	v3 =	vbroadcast v3, $0x0;
	v5 =	vld.idx.msk [tilespmem:v0+s4+$0x0], $0xffff  }
0x5c: {  	v6 =	vld.idx.msk [tilespmem:v1+s4+$0x0], $0xffff  }
0x5d: {  	s15 =	simm.s32 $0xD00;
	v8 =	vld.idx.msk [tilespmem:v2+s4+$0x0], $0xffff  }
0x5e: {  	v0 =	vld [tilespmem:s15+$0x80]  }
0x5f: {  	v1 =	vld [tilespmem:s15+$0xFFFFFF00]  }
0x60: {  	v2 =	vld [tilespmem:s15+$0xFFFFFF80]  }
0x61: {  	v4 =	vld.idx.msk [tilespmem:v3+s4+$0x0], $0xffff  }
0x62: {  	v3 =	vld [tilespmem:s15+$0x0]  }
0x63: {  	v0 =	vmul.f32 v8, v0  }
0x64: {  	s14 =	simm.s32 $0x5D00;
	v1 =	vmul.f32 v5, v1  }
0x65: {  	v2 =	vmul.f32 v6, v2;
	[tilespmem:s14+$0x80] =	vst v0  }
0x66: {  	[tilespmem:s14+$0xFFFFFF00] =	vst v1;
	v0 =	vld [tilespmem:s15+$0x90]  }
0x67: {  	v1 =	vmul.f32 v4, v3;
	[tilespmem:s14+$0xFFFFFF80] =	vst v2;
	v3 =	vld [tilespmem:s15+$0xFFFFFF10]  }
0x68: {  	v2 =	vld [tilespmem:s15+$0xFFFFFF90];
	_ =	sdelay $0x1  }
0x69: {  	[tilespmem:s14+$0x0] =	vst v1  }
0x6a: {  	v1 =	vld [tilespmem:s15+$0x10];
	v0 =	vmul.f32 v8, v0  }
0x6b: {  	v3 =	vmul.f32 v5, v3  }
0x6c: {  	v2 =	vmul.f32 v6, v2;
	[tilespmem:s14+$0x90] =	vst v0  }
0x6d: {  	[tilespmem:s14+$0xFFFFFF10] =	vst v3;
	v0 =	vld [tilespmem:s15+$0xA0]  }
0x6e: {  	[tilespmem:s14+$0xFFFFFF90] =	vst v2;
	v3 =	vld [tilespmem:s15+$0xFFFFFF20]  }
0x6f: {  	v1 =	vmul.f32 v4, v1;
	v2 =	vld [tilespmem:s15+$0xFFFFFFA0];
	_ =	sdelay $0x1  }
0x70: {  	s11 =	simm.s32 $0x5;
	s13 =	simm.s32 $0x6;
	[tilespmem:s14+$0x10] =	vst v1  }
0x71: {  	v10 =	vmov s11;
	v11 =	vmov s13;
	s10 =	simm.s32 $0x4;
	v9 =	vld [tilespmem:s15+$0x20];
	v0 =	vmul.f32 v8, v0  }
0x72: {  	v10 =	vand.u32 $0x7D, v10;
	v1 =	vmov s10;
	v3 =	vmul.f32 v5, v3  }
0x73: {  	v10 =	vor.u32 v7, v10;
	v1 =	vand.u32 $0x7C, v1;
	v2 =	vmul.f32 v6, v2;
	[tilespmem:s14+$0xA0] =	vst v0  }
0x74: {  	v11 =	vand.u32 $0x7E, v11;
	v10 =	vbroadcast v10, $0x0;
	v1 =	vor.u32 v7, v1;
	[tilespmem:s14+$0xFFFFFF20] =	vst v3;
	v3 =	vld [tilespmem:s15+$0xB0]  }
0x75: {  	v1 =	vbroadcast v1, $0x0;
	v0 =	vor.u32 v7, v11;
	[tilespmem:s14+$0xFFFFFFA0] =	vst v2;
	v12 =	vld [tilespmem:s15+$0xFFFFFF30]  }
0x76: {  	v9 =	vmul.f32 v4, v9;
	v11 =	vbroadcast v0, $0x0;
	v2 =	vld [tilespmem:s15+$0xFFFFFFB0]  }
0x77: {  	s19 =	simm.s32 $0x7  }
0x78: {  	v0 =	vmov s19;
	[tilespmem:s14+$0x20] =	vst v9  }
0x79: {  	v0 =	vand.u32 $0x7F, v0;
	v9 =	vld [tilespmem:s15+$0x30];
	v14 =	vmul.f32 v8, v3  }
0x7a: {  	v13 =	vor.u32 v7, v0;
	v3 =	vld.idx.msk [tilespmem:v10+s4+$0x0], $0xffff;
	v10 =	vmul.f32 v5, v12  }
0x7b: {  	v0 =	vld.idx.msk [tilespmem:v1+s4+$0x0], $0xffff;
	v13 =	vbroadcast v13, $0x0;
	v2 =	vmul.f32 v6, v2;
	[tilespmem:s14+$0xB0] =	vst v14  }
0x7c: {  	v1 =	vld.idx.msk [tilespmem:v11+s4+$0x0], $0xffff;
	[tilespmem:s14+$0xFFFFFF30] =	vst v10  }
0x7d: {  	[tilespmem:s14+$0xFFFFFFB0] =	vst v2;
	v10 =	vld [tilespmem:s15+$0xC0]  }
0x7e: {  	v12 =	vld [tilespmem:s15+$0xFFFFFFC0]  }
0x7f: {  	s11 =	simm.s32 $0xF00;
	v11 =	vld [tilespmem:s15+$0xFFFFFF40]  }
0x80: {  	v14 =	vld [tilespmem:s11+$0xFFFFFF00]  }
0x81: {  	v9 =	vmul.f32 v4, v9;
	v2 =	vld.idx.msk [tilespmem:v13+s4+$0x0], $0xffff  }
0x82: {  	v13 =	vld [tilespmem:s11+$0x80];
	v10 =	vmul.f32 v8, v10  }
0x83: {  	v16 =	vld [tilespmem:s11+$0x0];
	[tilespmem:s14+$0x30] =	vst v9;
	v12 =	vmul.f32 v6, v12  }
0x84: {  	v15 =	vld [tilespmem:s11+$0xFFFFFF80];
	v9 =	vmul.f32 v5, v11;
	[tilespmem:s14+$0xC0] =	vst v10  }
0x85: {  	[tilespmem:s14+$0xFFFFFFC0] =	vst v12;
	v12 =	vld [tilespmem:s15+$0x40]  }
0x86: {  	[tilespmem:s14+$0xFFFFFF40] =	vst v9;
	v9 =	vmul.f32 v0, v14;
	v10 =	vld [tilespmem:s15+$0xD0]  }
0x87: {  	s10 =	simm.s32 $0x5F00;
	v11 =	vmul.f32 v2, v13;
	v13 =	vld [tilespmem:s15+$0xFFFFFFD0]  }
0x88: {  	[tilespmem:s10+$0xFFFFFF00] =	vst v9;
	v9 =	vmul.f32 v1, v16  }
0x89: {  	v14 =	vmul.f32 v3, v15;
	[tilespmem:s10+$0x80] =	vst v11;
	v11 =	vld [tilespmem:s15+$0xFFFFFF50]  }
0x8a: {  	v15 =	vld [tilespmem:s11+$0x90];
	[tilespmem:s10+$0x0] =	vst v9;
	v9 =	vmul.f32 v4, v12  }
0x8b: {  	[tilespmem:s10+$0xFFFFFF80] =	vst v14;
	v16 =	vld [tilespmem:s11+$0xFFFFFF10];
	v10 =	vmul.f32 v8, v10  }
0x8c: {  	v14 =	vld [tilespmem:s11+$0xFFFFFF90];
	v13 =	vmul.f32 v6, v13;
	[tilespmem:s14+$0x40] =	vst v9  }
0x8d: {  	v12 =	vld [tilespmem:s11+$0x10];
	[tilespmem:s14+$0xD0] =	vst v10  }
0x8e: {  	v10 =	vmul.f32 v5, v11;
	[tilespmem:s14+$0xFFFFFFD0] =	vst v13;
	v13 =	vld [tilespmem:s15+$0x50]  }
0x8f: {  	v11 =	vmul.f32 v2, v15;
	v9 =	vld [tilespmem:s15+$0xE0]  }
0x90: {  	v15 =	vmul.f32 v0, v16;
	[tilespmem:s14+$0xFFFFFF50] =	vst v10;
	v10 =	vld [tilespmem:s15+$0xFFFFFFE0]  }
0x91: {  	[tilespmem:s10+$0x90] =	vst v11;
	v11 =	vld [tilespmem:s15+$0xFFFFFF60]  }
0x92: {  	s8 =	sadd.s32 $0x2, s7;
	v14 =	vmul.f32 v3, v14;
	[tilespmem:s10+$0xFFFFFF10] =	vst v15;
	v15 =	vld [tilespmem:s11+$0xA0]  }
0x93: {  	s13 =	sand.u32 $0xFE, s8;
	v12 =	vmul.f32 v1, v12;
	v16 =	vld [tilespmem:s11+$0xFFFFFF20]  }
0x94: {  	s19 =	smul.u32 $0xAB, s13;
	s13 =	sadd.s32 $0x4, s7;
	[tilespmem:s10+$0xFFFFFF90] =	vst v14;
	v9 =	vmul.f32 v8, v9  }
0x95: {  	s30 =	simm.s32 $0x8;
	s7 =	smul.u32 $0xAB, s13;
	v14 =	vld [tilespmem:s11+$0xFFFFFFA0];
	[tilespmem:s10+$0x10] =	vst v12;
	v12 =	vmul.f32 v4, v13  }
0x96: {  	v13 =	vmov s30;
	s30 =	simm.s32 $0x9;
	v17 =	vld [tilespmem:s11+$0x20];
	v10 =	vmul.f32 v6, v10;
	[tilespmem:s14+$0xE0] =	vst v9  }
0x97: {  	s19 =	sshrl.u32 s19, $0xA;
	s7 =	sshrl.u32 s7, $0xA;
	[tilespmem:s14+$0x50] =	vst v12;
	v9 =	vand.u32 $0x7C, v13;
	v13 =	vmov s30;
	v18 =	vmul.f32 v5, v11;
	v19 =	vld [tilespmem:s15+$0xF0]  }
0x98: {  	s19 =	smul.u32 $0x6, s19;
	s7 =	sand.u32 $0x3F, s7;
	s30 =	simm.s32 $0xA;
	v15 =	vmul.f32 v2, v15;
	v11 =	vld [tilespmem:s15+$0x60];
	v16 =	vmul.f32 v0, v16;
	v9 =	vor.u32 v7, v9;
	[tilespmem:s14+$0xFFFFFFE0] =	vst v10  }
0x99: {  	s7 =	smul.u32 $0x6, s7;
	v12 =	vmov s30;
	v10 =	vand.u32 $0x7D, v13;
	v9 =	vbroadcast v9, $0x0;
	[tilespmem:s14+$0xFFFFFF60] =	vst v18;
	v13 =	vld [tilespmem:s15+$0xFFFFFFF0]  }
0x9a: {  	v10 =	vor.u32 v7, v10;
	v12 =	vand.u32 $0x7E, v12;
	v18 =	vmul.f32 v3, v14;
	[tilespmem:s10+$0xA0] =	vst v15;
	v14 =	vld [tilespmem:s15+$0xFFFFFF70]  }
0x9b: {  	s8 =	ssub.s32 s8, s19;
	s19 =	simm.s32 $0xB;
	s7 =	ssub.s32 s13, s7;
	[tilespmem:s10+$0xFFFFFF20] =	vst v16;
	v16 =	vmul.f32 v1, v17;
	v10 =	vbroadcast v10, $0x0;
	v12 =	vor.u32 v7, v12;
	v15 =	vld [tilespmem:s11+$0xB0]  }
0x9c: {  	s8 =	sand.u32 $0xFE, s8;
	s7 =	sand.u32 $0xFE, s7;
	s30 =	simm.s32 $0xC;
	v17 =	vbroadcast v12, $0x0;
	v12 =	vld [tilespmem:s11+$0xFFFFFF30];
	[tilespmem:s10+$0xFFFFFFA0] =	vst v18;
	v18 =	vmul.f32 v8, v19  }
.LBB2_3:
0x9d: {  	p2 =	slt.u32 s30, $0x4C;
	v8 =	vmov s19;
	v19 =	vld [tilespmem:s11+$0xFFFFFFB0];
	[tilespmem:s10+$0x20] =	vst v16;
	v11 =	vmul.f32 v4, v11  }
0x9e: {  	v8 =	vand.u32 $0x7F, v8;
	v16 =	vld [tilespmem:s11+$0x30];
	v13 =	vmul.f32 v6, v13;
	[tilespmem:s14+$0xF0] =	vst v18;
	v6 =	vmov v3  }
0x9f: {  	v3 =	vor.u32 v7, v8;
	v8 =	vmul.f32 v5, v14;
	[tilespmem:s14+$0x60] =	vst v11;
	v5 =	vmov v0;
	v0 =	vld.idx.msk [tilespmem:v9+s4+$0x0], $0xffff  }
0xa0: {  	v9 =	vbroadcast v3, $0x0;
	v11 =	vmul.f32 v2, v15;
	[tilespmem:s14+$0xFFFFFFF0] =	vst v13;
	v13 =	vld [tilespmem:s15+$0x70];
	s15 =	smov.u32 s11  }
0xa1: {  	v3 =	vld.idx.msk [tilespmem:v10+s4+$0x0], $0xffff;
	v10 =	vmul.f32 v5, v12;
	[tilespmem:s14+$0xFFFFFF70] =	vst v8  }
0xa2: {  	v8 =	vld.idx.msk [tilespmem:v17+s4+$0x0], $0xffff;
	v12 =	vmul.f32 v6, v19;
	[tilespmem:s10+$0xB0] =	vst v11  }
0xa3: {  	[tilespmem:s10+$0xFFFFFF30] =	vst v10;
	v10 =	vmul.f32 v1, v16;
	v11 =	vld [tilespmem:s11+$0xC0]  }
0xa4: {  	v14 =	vld [tilespmem:s11+$0xFFFFFF40];
	[tilespmem:s10+$0xFFFFFFB0] =	vst v12  }
0xa5: {  	v12 =	vld [tilespmem:s11+$0xFFFFFFC0];
	[tilespmem:s10+$0x30] =	vst v10;
	v10 =	vmul.f32 v4, v13;
	v4 =	vmov v1  }
0xa6: {  	s11 =	sadd.s32 $0x200, s11;
	v19 =	vld.idx.msk [tilespmem:v9+s4+$0x0], $0xffff  }
0xa7: {  	v9 =	vld [tilespmem:s11+$0x80];
	[tilespmem:s14+$0x70] =	vst v10;
	s14 =	smov.u32 s10  }
0xa8: {  	v1 =	vmov v8;
	v10 =	vld [tilespmem:s11+$0xFFFFFF00];
	v11 =	vmul.f32 v2, v11  }
0xa9: {  	v8 =	vld [tilespmem:s11+$0xFFFFFF80];
	v13 =	vmul.f32 v5, v14  }
0xaa: {  	v14 =	vld [tilespmem:s11+$0x0];
	v12 =	vmul.f32 v6, v12;
	[tilespmem:s10+$0xC0] =	vst v11  }
0xab: {  	[tilespmem:s10+$0xFFFFFF40] =	vst v13;
	v11 =	vld [tilespmem:s15+$0xD0]  }
0xac: {  	v9 =	vmul.f32 v19, v9;
	[tilespmem:s10+$0xFFFFFFC0] =	vst v12;
	v12 =	vld [tilespmem:s15+$0x40]  }
0xad: {  	s10 =	sadd.s32 $0x200, s10;
	v10 =	vmul.f32 v0, v10;
	v13 =	vld [tilespmem:s15+$0xFFFFFFD0]  }
0xae: {  	v8 =	vmul.f32 v3, v8;
	[tilespmem:s10+$0x80] =	vst v9;
	v9 =	vld [tilespmem:s15+$0xFFFFFF50]  }
0xaf: {  	[tilespmem:s10+$0xFFFFFF00] =	vst v10;
	v10 =	vmul.f32 v1, v14;
	v14 =	vld [tilespmem:s11+$0x90]  }
0xb0: {  	v15 =	vld [tilespmem:s11+$0xFFFFFF10];
	[tilespmem:s10+$0xFFFFFF80] =	vst v8;
	v8 =	vmul.f32 v2, v11  }
0xb1: {  	v11 =	vld [tilespmem:s11+$0xFFFFFF90];
	[tilespmem:s10+$0x0] =	vst v10;
	v10 =	vmul.f32 v4, v12  }
0xb2: {  	v12 =	vld [tilespmem:s11+$0x10];
	v13 =	vmul.f32 v6, v13;
	[tilespmem:s14+$0xD0] =	vst v8  }
0xb3: {  	v8 =	vmul.f32 v5, v9;
	[tilespmem:s14+$0x40] =	vst v10;
	v9 =	vld [tilespmem:s15+$0xE0]  }
0xb4: {  	v10 =	vmul.f32 v19, v14;
	[tilespmem:s14+$0xFFFFFFD0] =	vst v13;
	v13 =	vld [tilespmem:s15+$0x50]  }
0xb5: {  	v14 =	vmul.f32 v0, v15;
	[tilespmem:s14+$0xFFFFFF50] =	vst v8;
	v8 =	vld [tilespmem:s15+$0xFFFFFFE0]  }
0xb6: {  	v11 =	vmul.f32 v3, v11;
	[tilespmem:s10+$0x90] =	vst v10;
	v10 =	vld [tilespmem:s15+$0xFFFFFF60]  }
0xb7: {  	[tilespmem:s10+$0xFFFFFF10] =	vst v14;
	v12 =	vmul.f32 v1, v12;
	v14 =	vld [tilespmem:s11+$0xA0]  }
0xb8: {  	v15 =	vld [tilespmem:s11+$0xFFFFFF20];
	[tilespmem:s10+$0xFFFFFF90] =	vst v11;
	v9 =	vmul.f32 v2, v9  }
0xb9: {  	v16 =	vld [tilespmem:s11+$0xFFFFFFA0];
	[tilespmem:s10+$0x10] =	vst v12;
	v11 =	vmul.f32 v4, v13  }
0xba: {  	s19 =	sadd.s32 $0x1, s30;
	v12 =	vmov s30;
	v17 =	vld [tilespmem:s11+$0x20];
	v8 =	vmul.f32 v6, v8;
	[tilespmem:s14+$0xE0] =	vst v9  }
0xbb: {  	v9 =	vand.u32 $0x7C, v12;
	v12 =	vmov s19;
	s19 =	sadd.s32 $0x2, s30;
	v10 =	vmul.f32 v5, v10;
	[tilespmem:s14+$0x50] =	vst v11;
	v18 =	vld [tilespmem:s15+$0xF0]  }
.Ltmp2:
0xbc: {  	v9 =	vor.u32 v7, v9;
	v20 =	vmov s19;
	v14 =	vmul.f32 v19, v14;
	[tilespmem:s14+$0xFFFFFFE0] =	vst v8;
	v11 =	vld [tilespmem:s15+$0x60];
	(pc) =	sbr.rel @p2 .LBB2_3-.Ltmp2, $4  }
0xbd: {  	v9 =	vbroadcast v9, $0x0;
	v8 =	vand.u32 $0x7D, v12;
	v12 =	vmul.f32 v0, v15;
	[tilespmem:s14+$0xFFFFFF60] =	vst v10;
	v13 =	vld [tilespmem:s15+$0xFFFFFFF0]  }
0xbe: {  	v8 =	vor.u32 v7, v8;
	v15 =	vand.u32 $0x7E, v20;
	v20 =	vmul.f32 v3, v16;
	[tilespmem:s10+$0xA0] =	vst v14;
	v14 =	vld [tilespmem:s15+$0xFFFFFF70]  }
0xbf: {  	v10 =	vbroadcast v8, $0x0;
	v8 =	vor.u32 v7, v15;
	[tilespmem:s10+$0xFFFFFF20] =	vst v12;
	v16 =	vmul.f32 v1, v17;
	v15 =	vld [tilespmem:s11+$0xB0]  }
0xc0: {  	s19 =	sadd.s32 $0x3, s30;
	s30 =	sadd.s32 $0x4, s30;
	v17 =	vbroadcast v8, $0x0;
	v12 =	vld [tilespmem:s11+$0xFFFFFF30];
	[tilespmem:s10+$0xFFFFFFA0] =	vst v20;
	v18 =	vmul.f32 v2, v18;
	v2 =	vmov v19  }
0xc1: {  	v8 =	vmov s19  }
0xc2: {  	s19 =	sadd.s32 $0x200, s11;
	v8 =	vand.u32 $0x7F, v8  }
0xc3: {  	v30 =	vld [tilespmem:s19+$0x80];
	v7 =	vor.u32 v7, v8  }
0xc4: {  	v31 =	vld [tilespmem:s19+$0xFFFFFF80];
	v19 =	vbroadcast v7, $0x0  }
0xc5: {  	v20 =	vld [tilespmem:s19+$0xFFFFFF00]  }
0xc6: {  	v21 =	vld [tilespmem:s19+$0x0]  }
0xc7: {  	v7 =	vld.idx.msk [tilespmem:v9+s4+$0x0], $0xffff  }
0xc8: {  	v9 =	vld.idx.msk [tilespmem:v10+s4+$0x0], $0xffff  }
0xc9: {  	v8 =	vld.idx.msk [tilespmem:v17+s4+$0x0], $0xffff  }
0xca: {  	v10 =	vld.idx.msk [tilespmem:v19+s4+$0x0], $0xffff;
	_ =	sdelay $0x1  }
0xcb: {  	v20 =	vmul.f32 v7, v20  }
0xcc: {  	s30 =	sadd.s32 $0x200, s10;
	v19 =	vmul.f32 v9, v31  }
0xcd: {  	v32 =	vmul.f32 v8, v21;
	[tilespmem:s30+$0xFFFFFF00] =	vst v20  }
0xce: {  	[tilespmem:s30+$0xFFFFFF80] =	vst v19;
	v20 =	vld [tilespmem:s19+$0xFFFFFF10];
	v17 =	vmul.f32 v10, v30  }
0xcf: {  	[tilespmem:s30+$0x0] =	vst v32;
	v19 =	vld [tilespmem:s19+$0xFFFFFF90]  }
0xd0: {  	[tilespmem:s30+$0x80] =	vst v17;
	v17 =	vld [tilespmem:s19+$0x10]  }
0xd1: {  	v33 =	vld [tilespmem:s19+$0x90];
	_ =	sdelay $0x1  }
0xd2: {  	[tilespmem:s10+$0x20] =	vst v16;
	v36 =	vmul.f32 v7, v20  }
0xd3: {  	[tilespmem:s14+$0xF0] =	vst v18;
	v35 =	vmul.f32 v9, v19  }
0xd4: {  	[tilespmem:s30+$0xFFFFFF10] =	vst v36;
	v37 =	vmul.f32 v8, v17  }
0xd5: {  	[tilespmem:s30+$0xFFFFFF90] =	vst v35;
	v39 =	vld [tilespmem:s19+$0xFFFFFF20];
	v34 =	vmul.f32 v10, v33  }
0xd6: {  	v11 =	vmul.f32 v4, v11;
	v18 =	vld [tilespmem:s19+$0xFFFFFFA0];
	[tilespmem:s30+$0x10] =	vst v37  }
0xd7: {  	v6 =	vmul.f32 v6, v13;
	[tilespmem:s30+$0x90] =	vst v34;
	v40 =	vld [tilespmem:s19+$0x20]  }
0xd8: {  	v5 =	vmul.f32 v5, v14;
	[tilespmem:s14+$0x60] =	vst v11;
	v38 =	vld [tilespmem:s19+$0xA0]  }
0xd9: {  	v41 =	vmul.f32 v2, v15;
	[tilespmem:s14+$0xFFFFFFF0] =	vst v6  }
0xda: {  	v44 =	vld [tilespmem:s11+$0x30];
	[tilespmem:s14+$0xFFFFFF70] =	vst v5;
	v13 =	vmul.f32 v7, v39  }
0xdb: {  	v42 =	vld [tilespmem:s11+$0xFFFFFFB0];
	[tilespmem:s10+$0xB0] =	vst v41;
	v45 =	vmul.f32 v9, v18  }
0xdc: {  	v46 =	vld [tilespmem:s15+$0x70];
	[tilespmem:s30+$0xFFFFFF20] =	vst v13;
	v47 =	vmul.f32 v8, v40  }
0xdd: {  	[tilespmem:s30+$0xFFFFFFA0] =	vst v45;
	v50 =	vld [tilespmem:s19+$0xFFFFFF30];
	v43 =	vmul.f32 v10, v38  }
0xde: {  	v12 =	vmul.f32 v0, v12;
	v49 =	vld [tilespmem:s19+$0xFFFFFFB0];
	[tilespmem:s30+$0x20] =	vst v47  }
0xdf: {  	v51 =	vmul.f32 v1, v44;
	[tilespmem:s30+$0xA0] =	vst v43;
	v52 =	vld [tilespmem:s19+$0x30]  }
0xe0: {  	v6 =	vmul.f32 v3, v42;
	[tilespmem:s10+$0xFFFFFF30] =	vst v12;
	v48 =	vld [tilespmem:s19+$0xB0]  }
0xe1: {  	v53 =	vld [tilespmem:s11+$0xC0];
	v54 =	vmul.f32 v4, v46;
	[tilespmem:s10+$0x30] =	vst v51  }
0xe2: {  	[tilespmem:s10+$0xFFFFFFB0] =	vst v6;
	v58 =	vld [tilespmem:s11+$0x40];
	v14 =	vmul.f32 v7, v50  }
0xe3: {  	v56 =	vld [tilespmem:s11+$0xFFFFFF40];
	[tilespmem:s14+$0x70] =	vst v54;
	v57 =	vmul.f32 v9, v49  }
0xe4: {  	v6 =	vld [tilespmem:s11+$0xFFFFFFC0];
	[tilespmem:s30+$0xFFFFFF30] =	vst v14;
	v59 =	vmul.f32 v8, v52  }
0xe5: {  	[tilespmem:s30+$0xFFFFFFB0] =	vst v57;
	v63 =	vld [tilespmem:s19+$0xFFFFFF40];
	v55 =	vmul.f32 v10, v48  }
0xe6: {  	v61 =	vmul.f32 v2, v53;
	v62 =	vld [tilespmem:s19+$0xFFFFFFC0];
	[tilespmem:s30+$0x30] =	vst v59  }
0xe7: {  	v20 =	vmul.f32 v1, v58;
	[tilespmem:s30+$0xB0] =	vst v55;
	v18 =	vld [tilespmem:s19+$0x40]  }
0xe8: {  	[tilespmem:s10+$0xC0] =	vst v61;
	v17 =	vmul.f32 v0, v56;
	v60 =	vld [tilespmem:s19+$0xC0]  }
0xe9: {  	v6 =	vmul.f32 v3, v6;
	v19 =	vld [tilespmem:s11+$0xD0];
	[tilespmem:s10+$0x40] =	vst v20  }
0xea: {  	v24 =	vld [tilespmem:s11+$0x50];
	[tilespmem:s10+$0xFFFFFF40] =	vst v17;
	v15 =	vmul.f32 v7, v63  }
0xeb: {  	[tilespmem:s10+$0xFFFFFFC0] =	vst v6;
	v22 =	vld [tilespmem:s11+$0xFFFFFF50];
	v23 =	vmul.f32 v9, v62  }
0xec: {  	v21 =	vld [tilespmem:s11+$0xFFFFFFD0];
	[tilespmem:s30+$0xFFFFFF40] =	vst v15;
	v4 =	vmul.f32 v8, v18  }
0xed: {  	[tilespmem:s30+$0xFFFFFFC0] =	vst v23;
	v15 =	vld [tilespmem:s19+$0xFFFFFF50];
	v12 =	vmul.f32 v10, v60  }
0xee: {  	v25 =	vmul.f32 v2, v19;
	v26 =	vld [tilespmem:s19+$0xFFFFFFD0];
	[tilespmem:s30+$0x40] =	vst v4  }
0xef: {  	v30 =	vmul.f32 v1, v24;
	[tilespmem:s30+$0xC0] =	vst v12;
	v28 =	vld [tilespmem:s19+$0x50]  }
0xf0: {  	[tilespmem:s10+$0xD0] =	vst v25;
	v27 =	vmul.f32 v0, v22;
	v12 =	vld [tilespmem:s19+$0xD0]  }
0xf1: {  	v5 =	vmul.f32 v3, v21;
	v29 =	vld [tilespmem:s11+$0xE0];
	[tilespmem:s10+$0x50] =	vst v30  }
0xf2: {  	v34 =	vld [tilespmem:s11+$0x60];
	[tilespmem:s10+$0xFFFFFF50] =	vst v27;
	v35 =	vmul.f32 v7, v15  }
0xf3: {  	[tilespmem:s10+$0xFFFFFFD0] =	vst v5;
	v32 =	vld [tilespmem:s11+$0xFFFFFF60];
	v33 =	vmul.f32 v9, v26  }
0xf4: {  	v31 =	vld [tilespmem:s11+$0xFFFFFFE0];
	[tilespmem:s30+$0xFFFFFF50] =	vst v35;
	v37 =	vmul.f32 v8, v28  }
0xf5: {  	[tilespmem:s30+$0xFFFFFFD0] =	vst v33;
	v40 =	vld [tilespmem:s19+$0xFFFFFF60];
	v12 =	vmul.f32 v10, v12  }
0xf6: {  	v38 =	vmul.f32 v2, v29;
	v39 =	vld [tilespmem:s19+$0xFFFFFFE0];
	[tilespmem:s30+$0x50] =	vst v37  }
0xf7: {  	v44 =	vmul.f32 v1, v34;
	[tilespmem:s30+$0xD0] =	vst v12;
	v42 =	vld [tilespmem:s19+$0x60]  }
0xf8: {  	[tilespmem:s10+$0xE0] =	vst v38;
	v41 =	vmul.f32 v0, v32;
	v36 =	vld [tilespmem:s19+$0xE0]  }
0xf9: {  	v43 =	vld [tilespmem:s11+$0xF0];
	[tilespmem:s10+$0x60] =	vst v44;
	v4 =	vmul.f32 v3, v31  }
0xfa: {  	v49 =	vld [tilespmem:s11+$0x70];
	[tilespmem:s10+$0xFFFFFF60] =	vst v41;
	v50 =	vmul.f32 v7, v40  }
0xfb: {  	v47 =	vld [tilespmem:s11+$0xFFFFFF70];
	[tilespmem:s10+$0xFFFFFFE0] =	vst v4;
	v48 =	vmul.f32 v9, v39  }
0xfc: {  	v45 =	vld [tilespmem:s11+$0xFFFFFFF0];
	[tilespmem:s30+$0xFFFFFF60] =	vst v50;
	v52 =	vmul.f32 v8, v42  }
0xfd: {  	[tilespmem:s30+$0xFFFFFFE0] =	vst v48;
	v56 =	vld [tilespmem:s19+$0xFFFFFF70];
	v46 =	vmul.f32 v10, v36  }
0xfe: {  	v53 =	vmul.f32 v2, v43;
	v54 =	vld [tilespmem:s19+$0xFFFFFFF0];
	[tilespmem:s30+$0x60] =	vst v52  }
0xff: {  	v59 =	vmul.f32 v1, v49;
	[tilespmem:s30+$0xE0] =	vst v46;
	v58 =	vld [tilespmem:s19+$0x70]  }
0x100: {  	[tilespmem:s10+$0xF0] =	vst v53;
	v57 =	vmul.f32 v0, v47;
	v51 =	vld [tilespmem:s19+$0xF0]  }
0x101: {  	[tilespmem:s10+$0x70] =	vst v59;
	v55 =	vmul.f32 v3, v45  }
0x102: {  	[tilespmem:s10+$0xFFFFFF70] =	vst v57;
	v62 =	vmul.f32 v7, v56  }
0x103: {  	[tilespmem:s10+$0xFFFFFFF0] =	vst v55;
	v61 =	vmul.f32 v9, v54  }
.Ltmp3:
0x104: {  	[tilespmem:s30+$0xFFFFFF70] =	vst v62;
	v63 =	vmul.f32 v8, v58;
	(pc) =	sbr.rel @p1 .LBB2_7-.Ltmp3, $4  }
0x105: {  	[tilespmem:s30+$0xFFFFFFF0] =	vst v61;
	v60 =	vmul.f32 v10, v51  }
0x106: {  	[tilespmem:s30+$0x70] =	vst v63  }
0x107: {  	[tilespmem:s30+$0xF0] =	vst v60;
	s30 =	sadd.s32 $0x80, s18  }
0x108: {  	[spmem:s3] =	stream.indirect.scatter.add.f32 [tilespmem:s26], [sflag:$0x3], $0x80, s30, s22, $0xb8;
	[tilespmem:$0x1E480] =	vst v63  }
0x109: {  	p2 =	seq.s32 s17, $0x3E  }
.Ltmp4:
0x10a: {  	_ = 	snop;
	(pc) =	sbr.rel @p2 .LBB2_8-.Ltmp4, $1  }
0x10b: {  	_ =	sdelay $0x3  }
0x10c: {  	_ =	swait.ge [sflag:s0], $0x180  }
0x10d: {  	[sflag:s0] =	ssyncset.done $0x0  }
0x10e: {  	[sflag:s0] =	ssyncadd.s32 $0xFFFFFE80  }
.LBB2_7:
0x10f: {  	p2 =	slt.u32 s17, $0x3D  }
.Ltmp5:
0x110: {  	_ = 	snop;
	(pc) =	sbr.rel @!p2 .LBB2_8-.Ltmp5, $3  }
0x111: {  	s10 =	smul.u32 $0x600, s8;
	_ =	sdelay $0x1  }
0x112: {  	s10 =	sshrl.u32 s10, $0x2  }
0x113: {  	[tilespmem:s23], [sflag:$0x1] =	stream.indirect.gather [hbm4b:s1+s22], $0x80, s10, s22, $0xb8;
	[tilespmem:$0x1E480] =	vst v63  }
0x114: {  	s10 =	sshll.u32 s13, $0x9  }
0x115: {  	s7 =	smul.u32 $0x600, s7;
	s10 =	sadd.s32 s6, s10  }
0x116: {  	s10 =	sshrl.u32 s10, $0x3  }
0x117: {  	s7 =	sshrl.u32 s7, $0x2;
	s10 =	sadd.s32 s5, s10  }
0x118: {  	[tilespmem:s7], [sflag:$0x5] =	stream.linear.gather [hbm4b:s10+s4], $0x180, $0x38;
	[tilespmem:$0x1E480] =	vst v63  }
.Ltmp6:
0x119: {  	_ = 	snop;
	(pc) =	sbr.rel @!p1 .LBB2_10-.Ltmp6, $4  }
.Ltmp7:
0x11a: {  	_ = 	snop;
	(pc) =	sbr.rel @p1 .LBB2_11-.Ltmp7, $4  }
0x11b: {  	_ =	swait.ge [sflag:s28], $0x2800  }
0x11c: {  	[sflag:s28] =	ssyncset.done $0x0  }
0x11d: {  	[sflag:s28] =	ssyncadd.s32 $0xFFFFD800  }
0x11e: {  	_ = 	snop  }
.LBB2_8:
0x11f: {  	_ =	swait.ge [sflag:s28], $0x2800  }
0x120: {  	[sflag:s28] =	ssyncset.done $0x0  }
0x121: {  	[sflag:s28] =	ssyncadd.s32 $0xFFFFD800  }
.LBB2_10:
0x122: {  	_ =	swait.ge [sflag:s31], $0x2800  }
0x123: {  	[sflag:s31] =	ssyncset.done $0x0  }
0x124: {  	[sflag:s31] =	ssyncadd.s32 $0xFFFFD800  }
.LBB2_11:
0x125: {  	s7 =	simm.s32 $0x0  }
0x126: {  	s9 =	sadd.s32 $0x280, s9;
	s14 =	simm.s32 $0x1;
	v0 =	vmov s7  }
0x127: {  	s15 =	simm.s32 $0x3;
	v7 =	vmov s9;
	v1 =	vmov s14;
	v0 =	vand.u32 $0x7C, v0  }
0x128: {  	v2 =	vmov s15;
	v1 =	vand.u32 $0x7D, v1;
	v0 =	vor.u32 v7, v0  }
0x129: {  	v2 =	vand.u32 $0x7F, v2;
	v1 =	vor.u32 v7, v1;
	v0 =	vbroadcast v0, $0x0  }
0x12a: {  	v2 =	vor.u32 v7, v2;
	v1 =	vbroadcast v1, $0x0  }
0x12b: {  	s19 =	simm.s32 $0x2;
	v2 =	vbroadcast v2, $0x0  }
0x12c: {  	v3 =	vmov s19  }
0x12d: {  	v3 =	vand.u32 $0x7E, v3  }
0x12e: {  	v3 =	vor.u32 v7, v3  }
0x12f: {  	v3 =	vbroadcast v3, $0x0;
	v5 =	vld.idx.msk [tilespmem:v0+s4+$0x0], $0xffff  }
0x130: {  	v6 =	vld.idx.msk [tilespmem:v1+s4+$0x0], $0xffff  }
0x131: {  	s13 =	simm.s32 $0x3500;
	v8 =	vld.idx.msk [tilespmem:v2+s4+$0x0], $0xffff  }
0x132: {  	v0 =	vld [tilespmem:s13+$0x80]  }
0x133: {  	v1 =	vld [tilespmem:s13+$0xFFFFFF00]  }
0x134: {  	v2 =	vld [tilespmem:s13+$0xFFFFFF80]  }
0x135: {  	v4 =	vld.idx.msk [tilespmem:v3+s4+$0x0], $0xffff  }
0x136: {  	v3 =	vld [tilespmem:s13+$0x0]  }
0x137: {  	v0 =	vmul.f32 v8, v0  }
0x138: {  	s11 =	simm.s32 $0x8500;
	v1 =	vmul.f32 v5, v1  }
0x139: {  	v2 =	vmul.f32 v6, v2;
	[tilespmem:s11+$0x80] =	vst v0  }
0x13a: {  	[tilespmem:s11+$0xFFFFFF00] =	vst v1;
	v0 =	vld [tilespmem:s13+$0x90]  }
0x13b: {  	v1 =	vmul.f32 v4, v3;
	[tilespmem:s11+$0xFFFFFF80] =	vst v2;
	v3 =	vld [tilespmem:s13+$0xFFFFFF10]  }
0x13c: {  	v2 =	vld [tilespmem:s13+$0xFFFFFF90]  }
0x13d: {  	[tilespmem:s11+$0x0] =	vst v1  }
0x13e: {  	v1 =	vld [tilespmem:s13+$0x10]  }
0x13f: {  	v0 =	vmul.f32 v8, v0  }
0x140: {  	v3 =	vmul.f32 v5, v3  }
0x141: {  	v2 =	vmul.f32 v6, v2;
	[tilespmem:s11+$0x90] =	vst v0  }
0x142: {  	[tilespmem:s11+$0xFFFFFF10] =	vst v3;
	v0 =	vld [tilespmem:s13+$0xA0]  }
0x143: {  	v1 =	vmul.f32 v4, v1;
	[tilespmem:s11+$0xFFFFFF90] =	vst v2;
	v3 =	vld [tilespmem:s13+$0xFFFFFF20]  }
0x144: {  	v2 =	vld [tilespmem:s13+$0xFFFFFFA0]  }
0x145: {  	s30 =	simm.s32 $0x4;
	s10 =	simm.s32 $0x6;
	s9 =	simm.s32 $0x5;
	[tilespmem:s11+$0x10] =	vst v1  }
0x146: {  	v11 =	vmov s10;
	v10 =	vmov s9;
	v1 =	vmov s30;
	v9 =	vld [tilespmem:s13+$0x20]  }
0x147: {  	v11 =	vand.u32 $0x7E, v11;
	v1 =	vand.u32 $0x7C, v1;
	v0 =	vmul.f32 v8, v0  }
0x148: {  	v10 =	vand.u32 $0x7D, v10;
	v1 =	vor.u32 v7, v1;
	v3 =	vmul.f32 v5, v3  }
0x149: {  	v10 =	vor.u32 v7, v10;
	v1 =	vbroadcast v1, $0x0;
	v2 =	vmul.f32 v6, v2;
	[tilespmem:s11+$0xA0] =	vst v0  }
0x14a: {  	v10 =	vbroadcast v10, $0x0;
	v0 =	vor.u32 v7, v11;
	[tilespmem:s11+$0xFFFFFF20] =	vst v3;
	v3 =	vld [tilespmem:s13+$0xB0]  }
0x14b: {  	s14 =	simm.s32 $0x7;
	v9 =	vmul.f32 v4, v9;
	[tilespmem:s11+$0xFFFFFFA0] =	vst v2;
	v11 =	vbroadcast v0, $0x0;
	v12 =	vld [tilespmem:s13+$0xFFFFFF30]  }
0x14c: {  	v0 =	vmov s14;
	v2 =	vld [tilespmem:s13+$0xFFFFFFB0]  }
0x14d: {  	[tilespmem:s11+$0x20] =	vst v9;
	v0 =	vand.u32 $0x7F, v0  }
0x14e: {  	v9 =	vld [tilespmem:s13+$0x30];
	v13 =	vor.u32 v7, v0  }
0x14f: {  	v0 =	vld.idx.msk [tilespmem:v1+s4+$0x0], $0xffff;
	v13 =	vbroadcast v13, $0x0;
	v14 =	vmul.f32 v8, v3  }
0x150: {  	v3 =	vld.idx.msk [tilespmem:v10+s4+$0x0], $0xffff;
	v10 =	vmul.f32 v5, v12  }
0x151: {  	v2 =	vmul.f32 v6, v2;
	v1 =	vld.idx.msk [tilespmem:v11+s4+$0x0], $0xffff;
	[tilespmem:s11+$0xB0] =	vst v14  }
0x152: {  	[tilespmem:s11+$0xFFFFFF30] =	vst v10;
	v10 =	vld [tilespmem:s13+$0xC0]  }
0x153: {  	[tilespmem:s11+$0xFFFFFFB0] =	vst v2;
	v11 =	vld [tilespmem:s13+$0xFFFFFF40]  }
0x154: {  	v12 =	vld [tilespmem:s13+$0xFFFFFFC0]  }
0x155: {  	s10 =	simm.s32 $0x3700;
	v2 =	vld.idx.msk [tilespmem:v13+s4+$0x0], $0xffff  }
0x156: {  	v13 =	vld [tilespmem:s10+$0x80]  }
0x157: {  	v14 =	vld [tilespmem:s10+$0xFFFFFF00];
	v10 =	vmul.f32 v8, v10  }
0x158: {  	v15 =	vld [tilespmem:s10+$0xFFFFFF80];
	v9 =	vmul.f32 v4, v9  }
0x159: {  	v16 =	vld [tilespmem:s10+$0x0];
	v12 =	vmul.f32 v6, v12;
	[tilespmem:s11+$0xC0] =	vst v10  }
0x15a: {  	[tilespmem:s11+$0x30] =	vst v9;
	v9 =	vmul.f32 v5, v11;
	v10 =	vld [tilespmem:s13+$0xD0]  }
0x15b: {  	v11 =	vmul.f32 v2, v13;
	[tilespmem:s11+$0xFFFFFFC0] =	vst v12;
	v12 =	vld [tilespmem:s13+$0x40]  }
0x15c: {  	s9 =	simm.s32 $0x8700;
	[tilespmem:s11+$0xFFFFFF40] =	vst v9;
	v9 =	vmul.f32 v0, v14;
	v13 =	vld [tilespmem:s13+$0xFFFFFFD0]  }
0x15d: {  	v14 =	vmul.f32 v3, v15;
	[tilespmem:s9+$0x80] =	vst v11;
	v11 =	vld [tilespmem:s13+$0xFFFFFF50]  }
0x15e: {  	[tilespmem:s9+$0xFFFFFF00] =	vst v9;
	v9 =	vmul.f32 v1, v16;
	v15 =	vld [tilespmem:s10+$0x90]  }
0x15f: {  	[tilespmem:s9+$0xFFFFFF80] =	vst v14;
	v16 =	vld [tilespmem:s10+$0xFFFFFF10];
	v10 =	vmul.f32 v8, v10  }
0x160: {  	v14 =	vld [tilespmem:s10+$0xFFFFFF90];
	[tilespmem:s9+$0x0] =	vst v9;
	v9 =	vmul.f32 v4, v12  }
0x161: {  	v12 =	vld [tilespmem:s10+$0x10];
	v13 =	vmul.f32 v6, v13;
	[tilespmem:s11+$0xD0] =	vst v10  }
0x162: {  	[tilespmem:s11+$0x40] =	vst v9;
	v10 =	vmul.f32 v5, v11;
	v9 =	vld [tilespmem:s13+$0xE0]  }
0x163: {  	v11 =	vmul.f32 v2, v15;
	[tilespmem:s11+$0xFFFFFFD0] =	vst v13;
	v13 =	vld [tilespmem:s13+$0x50]  }
0x164: {  	v15 =	vmul.f32 v0, v16;
	[tilespmem:s11+$0xFFFFFF50] =	vst v10;
	v10 =	vld [tilespmem:s13+$0xFFFFFFE0]  }
0x165: {  	v14 =	vmul.f32 v3, v14;
	[tilespmem:s9+$0x90] =	vst v11;
	v11 =	vld [tilespmem:s13+$0xFFFFFF60]  }
0x166: {  	[tilespmem:s9+$0xFFFFFF10] =	vst v15;
	v12 =	vmul.f32 v1, v12;
	v15 =	vld [tilespmem:s10+$0xA0]  }
0x167: {  	[tilespmem:s9+$0xFFFFFF90] =	vst v14;
	v16 =	vld [tilespmem:s10+$0xFFFFFF20];
	v9 =	vmul.f32 v8, v9  }
0x168: {  	s15 =	simm.s32 $0x8;
	v14 =	vld [tilespmem:s10+$0xFFFFFFA0];
	[tilespmem:s9+$0x10] =	vst v12;
	v12 =	vmul.f32 v4, v13  }
0x169: {  	s30 =	simm.s32 $0xA;
	v13 =	vmov s15;
	v17 =	vld [tilespmem:s10+$0x20];
	v10 =	vmul.f32 v6, v10;
	[tilespmem:s11+$0xE0] =	vst v9  }
0x16a: {  	s19 =	simm.s32 $0x9;
	v19 =	vmov s30;
	[tilespmem:s11+$0x50] =	vst v12;
	v9 =	vand.u32 $0x7C, v13;
	v11 =	vmul.f32 v5, v11;
	v18 =	vld [tilespmem:s13+$0xF0]  }
0x16b: {  	v13 =	vmov s19;
	v15 =	vmul.f32 v2, v15;
	v12 =	vld [tilespmem:s13+$0x60];
	v9 =	vor.u32 v7, v9;
	[tilespmem:s11+$0xFFFFFFE0] =	vst v10  }
0x16c: {  	v16 =	vmul.f32 v0, v16;
	v10 =	vand.u32 $0x7D, v13;
	v9 =	vbroadcast v9, $0x0;
	[tilespmem:s11+$0xFFFFFF60] =	vst v11;
	v13 =	vld [tilespmem:s13+$0xFFFFFFF0]  }
0x16d: {  	v10 =	vor.u32 v7, v10;
	v11 =	vand.u32 $0x7E, v19;
	v19 =	vmul.f32 v3, v14;
	[tilespmem:s9+$0xA0] =	vst v15;
	v14 =	vld [tilespmem:s13+$0xFFFFFF70]  }
0x16e: {  	[tilespmem:s9+$0xFFFFFF20] =	vst v16;
	v16 =	vmul.f32 v1, v17;
	v10 =	vbroadcast v10, $0x0;
	v11 =	vor.u32 v7, v11;
	v15 =	vld [tilespmem:s10+$0xB0]  }
0x16f: {  	s7 =	simm.s32 $0xC;
	s14 =	simm.s32 $0xB;
	v17 =	vbroadcast v11, $0x0;
	v11 =	vld [tilespmem:s10+$0xFFFFFF30];
	[tilespmem:s9+$0xFFFFFFA0] =	vst v19;
	v18 =	vmul.f32 v8, v18  }
.LBB2_12:
0x170: {  	p1 =	slt.u32 s7, $0x4C;
	v8 =	vmov s14;
	v19 =	vld [tilespmem:s10+$0xFFFFFFB0];
	[tilespmem:s9+$0x20] =	vst v16;
	v12 =	vmul.f32 v4, v12  }
0x171: {  	v8 =	vand.u32 $0x7F, v8;
	v16 =	vld [tilespmem:s10+$0x30];
	v13 =	vmul.f32 v6, v13;
	[tilespmem:s11+$0xF0] =	vst v18;
	v6 =	vmov v3  }
0x172: {  	v3 =	vor.u32 v7, v8;
	v8 =	vmul.f32 v5, v14;
	[tilespmem:s11+$0x60] =	vst v12;
	v5 =	vmov v0;
	v0 =	vld.idx.msk [tilespmem:v9+s4+$0x0], $0xffff  }
0x173: {  	v9 =	vbroadcast v3, $0x0;
	v12 =	vmul.f32 v2, v15;
	[tilespmem:s11+$0xFFFFFFF0] =	vst v13;
	v13 =	vld [tilespmem:s13+$0x70];
	s13 =	smov.u32 s10  }
0x174: {  	v3 =	vld.idx.msk [tilespmem:v10+s4+$0x0], $0xffff;
	v10 =	vmul.f32 v5, v11;
	[tilespmem:s11+$0xFFFFFF70] =	vst v8  }
0x175: {  	v8 =	vld.idx.msk [tilespmem:v17+s4+$0x0], $0xffff;
	v11 =	vmul.f32 v6, v19;
	[tilespmem:s9+$0xB0] =	vst v12  }
0x176: {  	[tilespmem:s9+$0xFFFFFF30] =	vst v10;
	v10 =	vmul.f32 v1, v16;
	v12 =	vld [tilespmem:s10+$0xC0]  }
0x177: {  	v14 =	vld [tilespmem:s10+$0xFFFFFF40];
	[tilespmem:s9+$0xFFFFFFB0] =	vst v11  }
0x178: {  	v11 =	vld [tilespmem:s10+$0xFFFFFFC0];
	[tilespmem:s9+$0x30] =	vst v10;
	v10 =	vmul.f32 v4, v13;
	v4 =	vmov v1  }
0x179: {  	s10 =	sadd.s32 $0x200, s10;
	v19 =	vld.idx.msk [tilespmem:v9+s4+$0x0], $0xffff  }
0x17a: {  	v9 =	vld [tilespmem:s10+$0x80];
	[tilespmem:s11+$0x70] =	vst v10;
	s11 =	smov.u32 s9  }
0x17b: {  	v1 =	vmov v8;
	v10 =	vld [tilespmem:s10+$0xFFFFFF00];
	v12 =	vmul.f32 v2, v12  }
0x17c: {  	v8 =	vld [tilespmem:s10+$0xFFFFFF80];
	v13 =	vmul.f32 v5, v14  }
0x17d: {  	v14 =	vld [tilespmem:s10+$0x0];
	v11 =	vmul.f32 v6, v11;
	[tilespmem:s9+$0xC0] =	vst v12  }
0x17e: {  	[tilespmem:s9+$0xFFFFFF40] =	vst v13;
	v12 =	vld [tilespmem:s13+$0xD0]  }
0x17f: {  	v9 =	vmul.f32 v19, v9;
	[tilespmem:s9+$0xFFFFFFC0] =	vst v11;
	v11 =	vld [tilespmem:s13+$0x40]  }
0x180: {  	s9 =	sadd.s32 $0x200, s9;
	v10 =	vmul.f32 v0, v10;
	v13 =	vld [tilespmem:s13+$0xFFFFFFD0]  }
0x181: {  	v8 =	vmul.f32 v3, v8;
	[tilespmem:s9+$0x80] =	vst v9;
	v9 =	vld [tilespmem:s13+$0xFFFFFF50]  }
0x182: {  	[tilespmem:s9+$0xFFFFFF00] =	vst v10;
	v10 =	vmul.f32 v1, v14;
	v14 =	vld [tilespmem:s10+$0x90]  }
0x183: {  	v15 =	vld [tilespmem:s10+$0xFFFFFF10];
	[tilespmem:s9+$0xFFFFFF80] =	vst v8;
	v8 =	vmul.f32 v2, v12  }
0x184: {  	v12 =	vld [tilespmem:s10+$0xFFFFFF90];
	[tilespmem:s9+$0x0] =	vst v10;
	v10 =	vmul.f32 v4, v11  }
0x185: {  	v11 =	vld [tilespmem:s10+$0x10];
	v13 =	vmul.f32 v6, v13;
	[tilespmem:s11+$0xD0] =	vst v8  }
0x186: {  	v8 =	vmul.f32 v5, v9;
	[tilespmem:s11+$0x40] =	vst v10;
	v9 =	vld [tilespmem:s13+$0xE0]  }
0x187: {  	v10 =	vmul.f32 v19, v14;
	[tilespmem:s11+$0xFFFFFFD0] =	vst v13;
	v13 =	vld [tilespmem:s13+$0x50]  }
0x188: {  	v14 =	vmul.f32 v0, v15;
	[tilespmem:s11+$0xFFFFFF50] =	vst v8;
	v8 =	vld [tilespmem:s13+$0xFFFFFFE0]  }
0x189: {  	v12 =	vmul.f32 v3, v12;
	[tilespmem:s9+$0x90] =	vst v10;
	v10 =	vld [tilespmem:s13+$0xFFFFFF60]  }
0x18a: {  	[tilespmem:s9+$0xFFFFFF10] =	vst v14;
	v11 =	vmul.f32 v1, v11;
	v14 =	vld [tilespmem:s10+$0xA0]  }
0x18b: {  	v15 =	vld [tilespmem:s10+$0xFFFFFF20];
	[tilespmem:s9+$0xFFFFFF90] =	vst v12;
	v9 =	vmul.f32 v2, v9  }
0x18c: {  	v16 =	vld [tilespmem:s10+$0xFFFFFFA0];
	[tilespmem:s9+$0x10] =	vst v11;
	v11 =	vmul.f32 v4, v13  }
0x18d: {  	s14 =	sadd.s32 $0x1, s7;
	v12 =	vmov s7;
	v17 =	vld [tilespmem:s10+$0x20];
	v8 =	vmul.f32 v6, v8;
	[tilespmem:s11+$0xE0] =	vst v9  }
0x18e: {  	v13 =	vmov s14;
	s14 =	sadd.s32 $0x2, s7;
	v9 =	vand.u32 $0x7C, v12;
	v10 =	vmul.f32 v5, v10;
	[tilespmem:s11+$0x50] =	vst v11;
	v18 =	vld [tilespmem:s13+$0xF0]  }
.Ltmp8:
0x18f: {  	v9 =	vor.u32 v7, v9;
	v11 =	vmov s14;
	v14 =	vmul.f32 v19, v14;
	[tilespmem:s11+$0xFFFFFFE0] =	vst v8;
	v12 =	vld [tilespmem:s13+$0x60];
	(pc) =	sbr.rel @p1 .LBB2_12-.Ltmp8, $4  }
0x190: {  	v9 =	vbroadcast v9, $0x0;
	v8 =	vand.u32 $0x7D, v13;
	v15 =	vmul.f32 v0, v15;
	[tilespmem:s11+$0xFFFFFF60] =	vst v10;
	v13 =	vld [tilespmem:s13+$0xFFFFFFF0]  }
0x191: {  	v11 =	vand.u32 $0x7E, v11;
	v8 =	vor.u32 v7, v8;
	v20 =	vmul.f32 v3, v16;
	[tilespmem:s9+$0xA0] =	vst v14;
	v14 =	vld [tilespmem:s13+$0xFFFFFF70]  }
0x192: {  	v10 =	vbroadcast v8, $0x0;
	v8 =	vor.u32 v7, v11;
	[tilespmem:s9+$0xFFFFFF20] =	vst v15;
	v16 =	vmul.f32 v1, v17;
	v15 =	vld [tilespmem:s10+$0xB0]  }
0x193: {  	s14 =	sadd.s32 $0x3, s7;
	s7 =	sadd.s32 $0x4, s7;
	v17 =	vbroadcast v8, $0x0;
	v11 =	vld [tilespmem:s10+$0xFFFFFF30];
	[tilespmem:s9+$0xFFFFFFA0] =	vst v20;
	v18 =	vmul.f32 v2, v18;
	v2 =	vmov v19  }
0x194: {  	v8 =	vmov s14  }
0x195: {  	s19 =	sadd.s32 $0x200, s10;
	v8 =	vand.u32 $0x7F, v8  }
0x196: {  	v30 =	vld [tilespmem:s19+$0x80];
	v7 =	vor.u32 v7, v8  }
0x197: {  	v31 =	vld [tilespmem:s19+$0xFFFFFF80];
	v19 =	vbroadcast v7, $0x0  }
0x198: {  	v20 =	vld [tilespmem:s19+$0xFFFFFF00]  }
0x199: {  	v21 =	vld [tilespmem:s19+$0x0]  }
0x19a: {  	v7 =	vld.idx.msk [tilespmem:v9+s4+$0x0], $0xffff  }
0x19b: {  	v9 =	vld.idx.msk [tilespmem:v10+s4+$0x0], $0xffff  }
0x19c: {  	v8 =	vld.idx.msk [tilespmem:v17+s4+$0x0], $0xffff  }
0x19d: {  	v10 =	vld.idx.msk [tilespmem:v19+s4+$0x0], $0xffff;
	_ =	sdelay $0x1  }
0x19e: {  	v20 =	vmul.f32 v7, v20  }
0x19f: {  	s7 =	sadd.s32 $0x200, s9;
	v19 =	vmul.f32 v9, v31  }
0x1a0: {  	v32 =	vmul.f32 v8, v21;
	[tilespmem:s7+$0xFFFFFF00] =	vst v20  }
0x1a1: {  	[tilespmem:s7+$0xFFFFFF80] =	vst v19;
	v20 =	vld [tilespmem:s19+$0xFFFFFF10];
	v17 =	vmul.f32 v10, v30  }
0x1a2: {  	[tilespmem:s7+$0x0] =	vst v32;
	v19 =	vld [tilespmem:s19+$0xFFFFFF90]  }
0x1a3: {  	[tilespmem:s7+$0x80] =	vst v17;
	v17 =	vld [tilespmem:s19+$0x10]  }
0x1a4: {  	v33 =	vld [tilespmem:s19+$0x90];
	_ =	sdelay $0x1  }
0x1a5: {  	[tilespmem:s9+$0x20] =	vst v16;
	v36 =	vmul.f32 v7, v20  }
0x1a6: {  	[tilespmem:s11+$0xF0] =	vst v18;
	v35 =	vmul.f32 v9, v19  }
0x1a7: {  	[tilespmem:s7+$0xFFFFFF10] =	vst v36;
	v37 =	vmul.f32 v8, v17  }
0x1a8: {  	[tilespmem:s7+$0xFFFFFF90] =	vst v35;
	v39 =	vld [tilespmem:s19+$0xFFFFFF20];
	v34 =	vmul.f32 v10, v33  }
0x1a9: {  	v12 =	vmul.f32 v4, v12;
	v18 =	vld [tilespmem:s19+$0xFFFFFFA0];
	[tilespmem:s7+$0x10] =	vst v37  }
0x1aa: {  	v6 =	vmul.f32 v6, v13;
	[tilespmem:s7+$0x90] =	vst v34;
	v40 =	vld [tilespmem:s19+$0x20]  }
0x1ab: {  	v5 =	vmul.f32 v5, v14;
	[tilespmem:s11+$0x60] =	vst v12;
	v38 =	vld [tilespmem:s19+$0xA0]  }
0x1ac: {  	v41 =	vmul.f32 v2, v15;
	[tilespmem:s11+$0xFFFFFFF0] =	vst v6  }
0x1ad: {  	v44 =	vld [tilespmem:s10+$0x30];
	[tilespmem:s11+$0xFFFFFF70] =	vst v5;
	v13 =	vmul.f32 v7, v39  }
0x1ae: {  	v42 =	vld [tilespmem:s10+$0xFFFFFFB0];
	[tilespmem:s9+$0xB0] =	vst v41;
	v45 =	vmul.f32 v9, v18  }
0x1af: {  	v46 =	vld [tilespmem:s13+$0x70];
	[tilespmem:s7+$0xFFFFFF20] =	vst v13;
	v47 =	vmul.f32 v8, v40  }
0x1b0: {  	[tilespmem:s7+$0xFFFFFFA0] =	vst v45;
	v50 =	vld [tilespmem:s19+$0xFFFFFF30];
	v43 =	vmul.f32 v10, v38  }
0x1b1: {  	v11 =	vmul.f32 v0, v11;
	v49 =	vld [tilespmem:s19+$0xFFFFFFB0];
	[tilespmem:s7+$0x20] =	vst v47  }
0x1b2: {  	v51 =	vmul.f32 v1, v44;
	[tilespmem:s7+$0xA0] =	vst v43;
	v52 =	vld [tilespmem:s19+$0x30]  }
0x1b3: {  	v6 =	vmul.f32 v3, v42;
	[tilespmem:s9+$0xFFFFFF30] =	vst v11;
	v48 =	vld [tilespmem:s19+$0xB0]  }
0x1b4: {  	v53 =	vld [tilespmem:s10+$0xC0];
	v54 =	vmul.f32 v4, v46;
	[tilespmem:s9+$0x30] =	vst v51  }
0x1b5: {  	[tilespmem:s9+$0xFFFFFFB0] =	vst v6;
	v58 =	vld [tilespmem:s10+$0x40];
	v14 =	vmul.f32 v7, v50  }
0x1b6: {  	v56 =	vld [tilespmem:s10+$0xFFFFFF40];
	[tilespmem:s11+$0x70] =	vst v54;
	v57 =	vmul.f32 v9, v49  }
0x1b7: {  	v6 =	vld [tilespmem:s10+$0xFFFFFFC0];
	[tilespmem:s7+$0xFFFFFF30] =	vst v14;
	v59 =	vmul.f32 v8, v52  }
0x1b8: {  	[tilespmem:s7+$0xFFFFFFB0] =	vst v57;
	v63 =	vld [tilespmem:s19+$0xFFFFFF40];
	v55 =	vmul.f32 v10, v48  }
0x1b9: {  	v61 =	vmul.f32 v2, v53;
	v62 =	vld [tilespmem:s19+$0xFFFFFFC0];
	[tilespmem:s7+$0x30] =	vst v59  }
0x1ba: {  	v20 =	vmul.f32 v1, v58;
	[tilespmem:s7+$0xB0] =	vst v55;
	v18 =	vld [tilespmem:s19+$0x40]  }
0x1bb: {  	[tilespmem:s9+$0xC0] =	vst v61;
	v17 =	vmul.f32 v0, v56;
	v60 =	vld [tilespmem:s19+$0xC0]  }
0x1bc: {  	v6 =	vmul.f32 v3, v6;
	v19 =	vld [tilespmem:s10+$0xD0];
	[tilespmem:s9+$0x40] =	vst v20  }
0x1bd: {  	v24 =	vld [tilespmem:s10+$0x50];
	[tilespmem:s9+$0xFFFFFF40] =	vst v17;
	v15 =	vmul.f32 v7, v63  }
0x1be: {  	[tilespmem:s9+$0xFFFFFFC0] =	vst v6;
	v22 =	vld [tilespmem:s10+$0xFFFFFF50];
	v23 =	vmul.f32 v9, v62  }
0x1bf: {  	v21 =	vld [tilespmem:s10+$0xFFFFFFD0];
	[tilespmem:s7+$0xFFFFFF40] =	vst v15;
	v4 =	vmul.f32 v8, v18  }
0x1c0: {  	[tilespmem:s7+$0xFFFFFFC0] =	vst v23;
	v15 =	vld [tilespmem:s19+$0xFFFFFF50];
	v11 =	vmul.f32 v10, v60  }
0x1c1: {  	v25 =	vmul.f32 v2, v19;
	v26 =	vld [tilespmem:s19+$0xFFFFFFD0];
	[tilespmem:s7+$0x40] =	vst v4  }
0x1c2: {  	v30 =	vmul.f32 v1, v24;
	[tilespmem:s7+$0xC0] =	vst v11;
	v28 =	vld [tilespmem:s19+$0x50]  }
0x1c3: {  	[tilespmem:s9+$0xD0] =	vst v25;
	v27 =	vmul.f32 v0, v22;
	v11 =	vld [tilespmem:s19+$0xD0]  }
0x1c4: {  	v5 =	vmul.f32 v3, v21;
	v29 =	vld [tilespmem:s10+$0xE0];
	[tilespmem:s9+$0x50] =	vst v30  }
0x1c5: {  	v34 =	vld [tilespmem:s10+$0x60];
	[tilespmem:s9+$0xFFFFFF50] =	vst v27;
	v35 =	vmul.f32 v7, v15  }
0x1c6: {  	[tilespmem:s9+$0xFFFFFFD0] =	vst v5;
	v32 =	vld [tilespmem:s10+$0xFFFFFF60];
	v33 =	vmul.f32 v9, v26  }
0x1c7: {  	v31 =	vld [tilespmem:s10+$0xFFFFFFE0];
	[tilespmem:s7+$0xFFFFFF50] =	vst v35;
	v37 =	vmul.f32 v8, v28  }
0x1c8: {  	[tilespmem:s7+$0xFFFFFFD0] =	vst v33;
	v40 =	vld [tilespmem:s19+$0xFFFFFF60];
	v11 =	vmul.f32 v10, v11  }
0x1c9: {  	v38 =	vmul.f32 v2, v29;
	v39 =	vld [tilespmem:s19+$0xFFFFFFE0];
	[tilespmem:s7+$0x50] =	vst v37  }
0x1ca: {  	v44 =	vmul.f32 v1, v34;
	[tilespmem:s7+$0xD0] =	vst v11;
	v42 =	vld [tilespmem:s19+$0x60]  }
0x1cb: {  	[tilespmem:s9+$0xE0] =	vst v38;
	v41 =	vmul.f32 v0, v32;
	v36 =	vld [tilespmem:s19+$0xE0]  }
0x1cc: {  	v43 =	vld [tilespmem:s10+$0xF0];
	[tilespmem:s9+$0x60] =	vst v44;
	v4 =	vmul.f32 v3, v31  }
0x1cd: {  	v49 =	vld [tilespmem:s10+$0x70];
	[tilespmem:s9+$0xFFFFFF60] =	vst v41;
	v50 =	vmul.f32 v7, v40  }
0x1ce: {  	v47 =	vld [tilespmem:s10+$0xFFFFFF70];
	[tilespmem:s9+$0xFFFFFFE0] =	vst v4;
	v48 =	vmul.f32 v9, v39  }
0x1cf: {  	v45 =	vld [tilespmem:s10+$0xFFFFFFF0];
	[tilespmem:s7+$0xFFFFFF60] =	vst v50;
	v52 =	vmul.f32 v8, v42  }
0x1d0: {  	[tilespmem:s7+$0xFFFFFFE0] =	vst v48;
	v56 =	vld [tilespmem:s19+$0xFFFFFF70];
	v46 =	vmul.f32 v10, v36  }
0x1d1: {  	v53 =	vmul.f32 v2, v43;
	v54 =	vld [tilespmem:s19+$0xFFFFFFF0];
	[tilespmem:s7+$0x60] =	vst v52  }
0x1d2: {  	v59 =	vmul.f32 v1, v49;
	[tilespmem:s7+$0xE0] =	vst v46;
	v58 =	vld [tilespmem:s19+$0x70]  }
0x1d3: {  	[tilespmem:s9+$0xF0] =	vst v53;
	v57 =	vmul.f32 v0, v47;
	v51 =	vld [tilespmem:s19+$0xF0]  }
0x1d4: {  	[tilespmem:s9+$0x70] =	vst v59;
	v55 =	vmul.f32 v3, v45  }
0x1d5: {  	[tilespmem:s9+$0xFFFFFF70] =	vst v57;
	v62 =	vmul.f32 v7, v56  }
0x1d6: {  	p1 =	seq.s32 s17, $0x3E;
	[tilespmem:s9+$0xFFFFFFF0] =	vst v55;
	v61 =	vmul.f32 v9, v54  }
.Ltmp9:
0x1d7: {  	[tilespmem:s7+$0xFFFFFF70] =	vst v62;
	v63 =	vmul.f32 v8, v58;
	(pc) =	sbr.rel @p1 .LBB2_15-.Ltmp9, $4  }
0x1d8: {  	[tilespmem:s7+$0xFFFFFFF0] =	vst v61;
	v60 =	vmul.f32 v10, v51  }
0x1d9: {  	[tilespmem:s7+$0x70] =	vst v63  }
0x1da: {  	s30 =	sadd.s32 $0x200, s18;
	[tilespmem:s7+$0xF0] =	vst v60  }
0x1db: {  	[spmem:s3] =	stream.indirect.scatter.add.f32 [tilespmem:s29], [sflag:$0x4], $0x80, s30, s22, $0xb8;
	[tilespmem:$0x1E480] =	vst v63  }
0x1dc: {  	s8 =	smul.u32 $0x600, s8  }
.Ltmp10:
0x1dd: {  	s7 =	sshll.u32 s17, $0xA;
	(pc) =	sbr.rel .LBB2_2-.Ltmp10, $4  }
0x1de: {  	s7 =	sadd.s32 s7, s12  }
0x1df: {  	s8 =	sshrl.u32 s8, $0x2;
	s7 =	sshrl.u32 s7, $0x3  }
0x1e0: {  	s17 =	sadd.s32 $0x1, s17;
	s8 =	sadd.s32 $0x180, s8;
	s7 =	sadd.s32 s5, s7  }
0x1e1: {  	[tilespmem:s8], [sflag:$0x6] =	stream.linear.gather [hbm4b:s7+s4], $0x180, $0x38;
	[tilespmem:$0x1E480] =	vst v63  }
.LBB2_16:
0x1e2: {  	_ =	sfence.sel $0x180000  }
0x1e3: {  	[bflag:$0x0] =	sbarrier.arrive $0xFFFF  }
0x1e4: {  	_ =	strace $0x9000004A  }
0x1e5: {  	s0 =	stileid.u32;
	[bflag:$0x2] =	sbarrier.arrive $0xFFFF  }
0x1e6: {  	p0 =	sne.s32 s0, $0x0;
	s0 =	rddreg [dreg:$0x3]  }
0x1e7: {  	s0 =	sadd.s32 @!p0 $0x100000, s0  }
0x1e8: {  	[sflag:s0] =	ssyncadd.tile.s32 @!p0 $0x1;
	_ =	shalt  }
.Lfunc_end2:
_tile_overlayer_lowered:
.L_overlay_start_2:
0x1e9: {  	(tag) =	ssettag $0x2  }
0x1ea: {  	s0 =	rddreg [dreg:$0x0];
	s2 =	stileid.u32  }
0x1eb: {  	s1 =	rddreg [dreg:$0x1];
	p0 =	sne.s32 s2, $0x0  }
0x1ec: {  	s3 =	rddreg [dreg:$0x2];
	[bflag:$0x3] =	sbarrier.arrive $0xFFFF;
	s2 =	simm.s32 @!p0 $0x1C07  }
0x1ed: {  	[timem:s3], [sflag:s2] =	dma.local @!p0 [hbm:s0], s1  }
0x1ee: {  	s0 =	simm.s32 @!p0 $0x7  }
0x1ef: {  	_ =	swait.ge @!p0 [sflag:s0], s1  }
0x1f0: {  	s1 =	ssub.s32 @!p0 $0x0, s1;
	[sflag:s0] =	ssyncset.done @!p0 $0x0  }
0x1f1: {  	[sflag:s0] =	ssyncadd.s32 @!p0 s1  }
0x1f2: {  	[bflag:$0x3] =	sbarrier.arrive $0xFFFF  }
0x1f3: {  	_ =	shalt  }

</sc_bundles>
